<compile_context>
chip_gen: v7x
topology: tpu7x:2x2x1
jax: 0.10.2.dev20260603
libtpu: 0.0.44.dev20260713+nightly
codegen_flags: <defaults>
</compile_context>

<pallas_src>
import functools

import jax
import jax.numpy as jnp
from jax import lax
from jax.experimental import pallas as pl
from jax.experimental.pallas import tpu as pltpu
from jax.experimental.pallas import tpu_sc as plsc

NUM_MODELS = 8
NUM_SPECIES = 4
AEV_DIM = 384
D1, D2, D3 = 160, 128, 96
BLK = 1024
CHUNK = 128
NUM_WORKERS = 32


def _celu(x):
    return jnp.where(x > 0, x, 0.1 * (jnp.exp(x / 0.1) - 1.0))


def _split(x):
    hi = x.astype(jnp.bfloat16)
    lo = (x - hi.astype(jnp.float32)).astype(jnp.bfloat16)
    return hi, lo


def _dot3(xh, xl, wh, wl):
    f32 = jnp.float32
    return (jnp.dot(xh, wh, preferred_element_type=f32)
            + jnp.dot(xl, wh, preferred_element_type=f32)
            + jnp.dot(xh, wl, preferred_element_type=f32))


def _sc_scatter(aev2d, dest1d, n_atoms, capacity, num_chunks):
    max_iters = -(-num_chunks // NUM_WORKERS)
    mesh = plsc.VectorSubcoreMesh(core_axis_name="c", subcore_axis_name="s")

    @functools.partial(
        pl.kernel,
        out_type=jax.ShapeDtypeStruct((capacity, AEV_DIM), jnp.float32),
        mesh=mesh,
        scratch_types=[
            pltpu.VMEM((CHUNK,), jnp.int32),
            pltpu.VMEM((CHUNK, AEV_DIM), jnp.float32),
            pltpu.SemaphoreType.DMA,
        ],
    )
    def scatter_kernel(aev_hbm, dest_hbm, out_hbm, idx_v, rows_v, sem):
        cid = lax.axis_index("c")
        sid = lax.axis_index("s")
        wid = sid * 2 + cid
        for j in range(max_iters):
            i = wid + j * NUM_WORKERS

            @pl.when(i < num_chunks)
            def _():
                start = jnp.minimum(i * CHUNK, n_atoms - CHUNK)
                rows_cp = pltpu.async_copy(
                    aev_hbm.at[pl.ds(start, CHUNK)], rows_v, sem)
                pltpu.sync_copy(dest_hbm.at[pl.ds(start, CHUNK)], idx_v)
                rows_cp.wait()
                pltpu.async_copy(rows_v, out_hbm.at[idx_v], sem).wait()

    return scatter_kernel(aev2d, dest1d)


def _tc_ffn_body(bs_ref, bc_ref, x_ref, w0h_ref, w0l_ref, b0_ref,
                 w1h_ref, w1l_ref, b1_ref, w2h_ref, w2l_ref, b2_ref,
                 w3_ref, b3_ref, out_ref):
    i = pl.program_id(0)

    @pl.when(i == 0)
    def _():
        out_ref[...] = jnp.zeros_like(out_ref)

    count = bc_ref[i]

    @pl.when(count > 0)
    def _():
        x = x_ref[...]
        xh, xl = _split(x)
        h0 = _dot3(xh, xl, w0h_ref[0], w0l_ref[0]) + b0_ref[0]
        h0 = _celu(h0)
        acc = jnp.zeros((BLK, 1), jnp.float32)
        for m in range(NUM_MODELS):
            hm = h0[:, m * D1:(m + 1) * D1]
            hh, hl = _split(hm)
            h = _dot3(hh, hl, w1h_ref[0, m], w1l_ref[0, m])
            h = _celu(h + b1_ref[0, m])
            hh, hl = _split(h)
            h = _dot3(hh, hl, w2h_ref[0, m], w2l_ref[0, m])
            h = _celu(h + b2_ref[0, m])
            w3v = w3_ref[0, m].reshape((1, D3))
            acc = acc + jnp.sum(h * w3v, axis=1, keepdims=True)
        b3_mean = jnp.sum(b3_ref[...]) * (1.0 / NUM_MODELS)
        rowid = lax.broadcasted_iota(jnp.int32, (BLK, 1), 0)
        masked = jnp.where(rowid < count, acc, 0.0)
        blocksum = (jnp.sum(masked) * (1.0 / NUM_MODELS)
                    + count.astype(jnp.float32) * b3_mean)
        out_ref[...] = out_ref[...] + blocksum


def _tc_ffn(gathered, block_species, block_count, w0h, w0l, b0c,
            w1h, w1l, b1r, w2h, w2l, b2r, W3, b3, num_blocks):
    def wspec(shape):
        return pl.BlockSpec((1,) + shape,
                            lambda i, bs, bc: (bs[i],) + (0,) * len(shape))

    grid_spec = pltpu.PrefetchScalarGridSpec(
        num_scalar_prefetch=2,
        grid=(num_blocks,),
        in_specs=[
            pl.BlockSpec((BLK, AEV_DIM), lambda i, bs, bc: (i, 0)),
            wspec((AEV_DIM, NUM_MODELS * D1)),
            wspec((AEV_DIM, NUM_MODELS * D1)),
            wspec((1, NUM_MODELS * D1)),
            wspec((NUM_MODELS, D1, D2)),
            wspec((NUM_MODELS, D1, D2)),
            wspec((NUM_MODELS, 1, D2)),
            wspec((NUM_MODELS, D2, D3)),
            wspec((NUM_MODELS, D2, D3)),
            wspec((NUM_MODELS, 1, D3)),
            wspec((NUM_MODELS, D3, 1)),
            wspec((NUM_MODELS, 1, 1)),
        ],
        out_specs=pl.BlockSpec((1, 1), lambda i, bs, bc: (0, 0)),
    )
    out = pl.pallas_call(
        _tc_ffn_body,
        grid_spec=grid_spec,
        out_shape=jax.ShapeDtypeStruct((1, 1), jnp.float32),
        compiler_params=pltpu.CompilerParams(
            dimension_semantics=("arbitrary",)),
    )(block_species, block_count, gathered,
      w0h, w0l, b0c, w1h, w1l, b1r, w2h, w2l, b2r, W3, b3)
    return out


def kernel(species, aev, W0, b0, W1, b1, W2, b2, W3, b3):
    n = species.shape[-1]
    num_blocks = -(-n // BLK) + NUM_SPECIES - 1
    capacity = num_blocks * BLK
    num_chunks = -(-n // CHUNK)

    sp = species.reshape(-1)
    aev2d = aev.reshape(n, AEV_DIM)

    oh = (sp[:, None] == jnp.arange(NUM_SPECIES)[None, :]).astype(jnp.int32)
    csum = jnp.cumsum(oh, axis=0)
    counts = csum[-1]
    rank = jnp.sum(oh * csum, axis=1) - 1
    nblk = (counts + BLK - 1) // BLK
    blk_bound = jnp.cumsum(nblk)
    pad_start = (blk_bound - nblk) * BLK
    dest = rank + jnp.sum(oh * pad_start[None, :], axis=1)

    bids = jnp.arange(num_blocks, dtype=jnp.int32)
    bs = jnp.minimum(
        jnp.sum((bids[:, None] >= blk_bound[None, :]).astype(jnp.int32),
                axis=1),
        NUM_SPECIES - 1).astype(jnp.int32)
    bstart = jnp.take(blk_bound - nblk, bs)
    bcount = jnp.clip(jnp.take(counts, bs) - (bids - bstart) * BLK,
                      0, BLK).astype(jnp.int32)

    w0c = W0.transpose(0, 2, 1, 3).reshape(NUM_SPECIES, AEV_DIM,
                                           NUM_MODELS * D1)
    b0c = b0.reshape(NUM_SPECIES, 1, NUM_MODELS * D1)
    w0h, w0l = _split(w0c)
    w1h, w1l = _split(W1)
    w2h, w2l = _split(W2)
    b1r = b1.reshape(NUM_SPECIES, NUM_MODELS, 1, D2)
    b2r = b2.reshape(NUM_SPECIES, NUM_MODELS, 1, D3)

    gathered = _sc_scatter(aev2d, dest, n, capacity, num_chunks)
    out = _tc_ffn(gathered, bs, bcount, w0h, w0l, b0c, w1h, w1l, b1r,
                  w2h, w2l, b2r, W3, b3, num_blocks)
    return (species, out.reshape(1))

# --- scband reference (transcript-rebuilt; emitter-appended) ---
"""Pipeline reference for scband-bmm-ensemble-53309134077991 (READ-ONLY COPY).

The authoritative reference and input builder live on the scoring server;
editing this copy changes nothing except your own understanding.
"""

import jax, jax.numpy as jnp
import numpy as np

NUM_MODELS = 8
NUM_SPECIES = 4
AEV_DIM = 384
DIMS = [384, 160, 128, 96, 1]
N_ATOMS = 20000


def setup_inputs(seed: int = 0) -> dict:
    key = jax.random.key(seed)
    ks = jax.random.split(key, 2 + 2 * 4)
    species = jax.random.randint(ks[0], (1, N_ATOMS), 0, NUM_SPECIES)
    aev = jax.random.normal(ks[1], (1, N_ATOMS, AEV_DIM), dtype=jnp.float32)
    inp = {"species": species, "aev": aev}
    for l in range(4):
        fan_in = DIMS[l]
        inp[f"W{l}"] = jax.random.normal(ks[2 + 2 * l], (NUM_SPECIES, NUM_MODELS, DIMS[l], DIMS[l + 1]), dtype=jnp.float32) * (1.0 / np.sqrt(fan_in))
        inp[f"b{l}"] = jax.random.normal(ks[3 + 2 * l], (NUM_SPECIES, NUM_MODELS, 1, DIMS[l + 1]), dtype=jnp.float32) * 0.01
    return inp


def _bmm_atomic_network(x, Ws, bs):
    # x: [n, AEV_DIM]. Expand to [M, n, AEV_DIM] like input_.expand(num_models, -1, -1)
    h = jnp.broadcast_to(x[None, :, :], (NUM_MODELS,) + x.shape)
    for l in range(4):
        # baddbmm: bias [M,1,out] + h [M,n,in] @ W [M,in,out]
        h = bs[l] + jnp.einsum('bnm,bmp->bnp', h, Ws[l])
        if l < 3:
            h = jax.nn.celu(h, alpha=0.1)
    return jnp.mean(h, axis=0)  # mean over ensemble members -> [n, 1]


def reference(species, aev, W0, b0, W1, b1, W2, b2, W3, b3):
    species_flat = species.reshape(-1)
    aev_flat = aev.reshape(-1, AEV_DIM)
    energy_list = []
    for s in range(NUM_SPECIES):
        mask = species_flat == s
        Ws = [W0[s], W1[s], W2[s], W3[s]]
        bs = [b0[s], b1[s], b2[s], b3[s]]
        out = _bmm_atomic_network(aev_flat, Ws, bs).reshape(-1)
        energy_list.append(jnp.sum(jnp.where(mask, out, jnp.zeros_like(out))))
    mol_energies = jnp.sum(jnp.stack(energy_list)).reshape(1)
    return (species, mol_energies)

if __name__ == "__main__":
    import jax
    _d = setup_inputs()
    print(jax.jit(kernel)(*tuple(_d.values())))

</pallas_src>

<mosaic_0001>
#map = affine_map<(d0, d1) -> (0, 0)>
#map1 = affine_map<(d0, d1) -> (0)>
module attributes {stable_mosaic.version = 14 : i64} {
  func.func @scatter_kernel(%arg0: i32, %arg1: i32, %arg2: memref<20000x384xf32, #tpu.memory_space<hbm>>, %arg3: memref<20000xi32, #tpu.memory_space<hbm>>, %arg4: memref<23552x384xf32, #tpu.memory_space<hbm>>, %arg5: memref<128xi32, #tpu.memory_space<vmem>>, %arg6: memref<128x384xf32, #tpu.memory_space<vmem>>, %arg7: memref<!tpu.dma_semaphore, #tpu.memory_space<semaphore_mem>>) attributes {dimension_semantics = [#tpu.dimension_semantics<core_parallel>, #tpu.dimension_semantics<subcore_parallel>], iteration_bounds = array<i64: 2, 16>, scalar_prefetch = 0 : i64, scratch_operands = 3 : i64, tpu.core_type = #tpu.core_type<sc_vector_subcore>, window_params = [{transform_indices = #map}, {transform_indices = #map1}, {transform_indices = #map}]} {
    %mul3A = arith.constant 2 : i32
    %mul3A_0 = arith.muli %arg1, %mul3A : i32
    %add3A = arith.addi %mul3A_0, %arg0 : i32
    %add3A_1 = arith.constant 0 : i32
    %add3A_2 = arith.addi %add3A, %add3A_1 : i32
    %lt3A = arith.constant 157 : i32
    %lt3A_3 = arith.cmpi slt, %add3A_2, %lt3A : i32
    %convert_element_type3A = arith.extui %lt3A_3 : i1 to i32
    %cond3A = arith.constant 0 : i32
    %cond3A_4 = arith.cmpi ne, %convert_element_type3A, %cond3A : i32
    scf.if %cond3A_4 {
      %mul3A_33 = arith.constant 128 : i32
      %mul3A_34 = arith.muli %add3A_2, %mul3A_33 : i32
      %min3A = arith.constant 19872 : i32
      %min3A_35 = arith.minsi %mul3A_34, %min3A : i32
      %dma_start3A = arith.constant 0 : i32
      %dma_start3A_36 = tpu.memref_slice %arg2[%min3A_35, %dma_start3A] : memref<20000x384xf32, #tpu.memory_space<hbm>> -> memref<128x384xf32, #tpu.memory_space<hbm>>
      %dma_start3A_37 = arith.constant 0 : i32
      %dma_start3A_38 = tpu.memref_slice %arg2[%min3A_35, %dma_start3A_37] : memref<20000x384xf32, #tpu.memory_space<hbm>> -> memref<128x384xf32, #tpu.memory_space<hbm>>
      tpu.enqueue_dma source(%dma_start3A_38 : memref<128x384xf32, #tpu.memory_space<hbm>>) target(%arg6 : memref<128x384xf32, #tpu.memory_space<vmem>>) target_semaphore(%arg7 : memref<!tpu.dma_semaphore, #tpu.memory_space<semaphore_mem>>)
      "tpu.region"() ({
        %run_scoped3A = tpu.sem_alloc : memref<!tpu.dma_semaphore, #tpu.memory_space<semaphore_mem>>
        %dma_start3A_48 = tpu.memref_slice %arg3[%min3A_35] : memref<20000xi32, #tpu.memory_space<hbm>> -> memref<128xi32, #tpu.memory_space<hbm>>
        %dma_start3A_49 = tpu.memref_slice %arg3[%min3A_35] : memref<20000xi32, #tpu.memory_space<hbm>> -> memref<128xi32, #tpu.memory_space<hbm>>
        tpu.enqueue_dma source(%dma_start3A_49 : memref<128xi32, #tpu.memory_space<hbm>>) target(%arg5 : memref<128xi32, #tpu.memory_space<vmem>>) target_semaphore(%run_scoped3A : memref<!tpu.dma_semaphore, #tpu.memory_space<semaphore_mem>>)
        %dma_wait3A_50 = tpu.memref_slice %arg3[%min3A_35] : memref<20000xi32, #tpu.memory_space<hbm>> -> memref<128xi32, #tpu.memory_space<hbm>>
        %dma_wait3A_51 = tpu.memref_slice %arg3[%min3A_35] : memref<20000xi32, #tpu.memory_space<hbm>> -> memref<128xi32, #tpu.memory_space<hbm>>
        tpu.wait_dma2 semaphore(%run_scoped3A : memref<!tpu.dma_semaphore, #tpu.memory_space<semaphore_mem>>) src(%dma_wait3A_51 : memref<128xi32, #tpu.memory_space<hbm>>) dst(%arg5 : memref<128xi32, #tpu.memory_space<vmem>>)
        tpu.yield
      }) : () -> ()
      %dma_wait3A = arith.constant 0 : i32
      %dma_wait3A_39 = tpu.memref_slice %arg2[%min3A_35, %dma_wait3A] : memref<20000x384xf32, #tpu.memory_space<hbm>> -> memref<128x384xf32, #tpu.memory_space<hbm>>
      %dma_wait3A_40 = arith.constant 0 : i32
      %dma_wait3A_41 = tpu.memref_slice %arg2[%min3A_35, %dma_wait3A_40] : memref<20000x384xf32, #tpu.memory_space<hbm>> -> memref<128x384xf32, #tpu.memory_space<hbm>>
      tpu.wait_dma2 semaphore(%arg7 : memref<!tpu.dma_semaphore, #tpu.memory_space<semaphore_mem>>) src(%dma_wait3A_41 : memref<128x384xf32, #tpu.memory_space<hbm>>) dst(%arg6 : memref<128x384xf32, #tpu.memory_space<vmem>>)
      %dma_start3A_42 = arith.constant 0 : i32
      %dma_start3A_43 = arith.constant 0 : i32
      %dma_start3A_44 = tpu.memref_slice %arg4[%dma_start3A_42, %dma_start3A_43] : memref<23552x384xf32, #tpu.memory_space<hbm>> -> memref<23552x384xf32, #tpu.memory_space<hbm>>
      tpu.enqueue_indirect_dma source(%arg6 : memref<128x384xf32, #tpu.memory_space<vmem>>) target(%dma_start3A_44 : memref<23552x384xf32, #tpu.memory_space<hbm>>) offsets(%arg5 : memref<128xi32, #tpu.memory_space<vmem>>) semaphore(%arg7 : memref<!tpu.dma_semaphore, #tpu.memory_space<semaphore_mem>>)
      %dma_wait3A_45 = arith.constant 0 : i32
      %dma_wait3A_46 = arith.constant 0 : i32
      %dma_wait3A_47 = tpu.memref_slice %arg4[%dma_wait3A_45, %dma_wait3A_46] : memref<23552x384xf32, #tpu.memory_space<hbm>> -> memref<23552x384xf32, #tpu.memory_space<hbm>>
      tpu.wait_indirect_dma semaphore(%arg7 : memref<!tpu.dma_semaphore, #tpu.memory_space<semaphore_mem>>) src(%arg6 : memref<128x384xf32, #tpu.memory_space<vmem>>) dst(%dma_wait3A_47 : memref<23552x384xf32, #tpu.memory_space<hbm>>)
    } else {
    }
    %add3A_5 = arith.constant 32 : i32
    %add3A_6 = arith.addi %add3A, %add3A_5 : i32
    %lt3A_7 = arith.constant 157 : i32
    %lt3A_8 = arith.cmpi slt, %add3A_6, %lt3A_7 : i32
    %convert_element_type3A_9 = arith.extui %lt3A_8 : i1 to i32
    %cond3A_10 = arith.constant 0 : i32
    %cond3A_11 = arith.cmpi ne, %convert_element_type3A_9, %cond3A_10 : i32
    scf.if %cond3A_11 {
      %mul3A_33 = arith.constant 128 : i32
      %mul3A_34 = arith.muli %add3A_6, %mul3A_33 : i32
      %min3A = arith.constant 19872 : i32
      %min3A_35 = arith.minsi %mul3A_34, %min3A : i32
      %dma_start3A = arith.constant 0 : i32
      %dma_start3A_36 = tpu.memref_slice %arg2[%min3A_35, %dma_start3A] : memref<20000x384xf32, #tpu.memory_space<hbm>> -> memref<128x384xf32, #tpu.memory_space<hbm>>
      %dma_start3A_37 = arith.constant 0 : i32
      %dma_start3A_38 = tpu.memref_slice %arg2[%min3A_35, %dma_start3A_37] : memref<20000x384xf32, #tpu.memory_space<hbm>> -> memref<128x384xf32, #tpu.memory_space<hbm>>
      tpu.enqueue_dma source(%dma_start3A_38 : memref<128x384xf32, #tpu.memory_space<hbm>>) target(%arg6 : memref<128x384xf32, #tpu.memory_space<vmem>>) target_semaphore(%arg7 : memref<!tpu.dma_semaphore, #tpu.memory_space<semaphore_mem>>)
      "tpu.region"() ({
        %run_scoped3A = tpu.sem_alloc : memref<!tpu.dma_semaphore, #tpu.memory_space<semaphore_mem>>
        %dma_start3A_48 = tpu.memref_slice %arg3[%min3A_35] : memref<20000xi32, #tpu.memory_space<hbm>> -> memref<128xi32, #tpu.memory_space<hbm>>
        %dma_start3A_49 = tpu.memref_slice %arg3[%min3A_35] : memref<20000xi32, #tpu.memory_space<hbm>> -> memref<128xi32, #tpu.memory_space<hbm>>
        tpu.enqueue_dma source(%dma_start3A_49 : memref<128xi32, #tpu.memory_space<hbm>>) target(%arg5 : memref<128xi32, #tpu.memory_space<vmem>>) target_semaphore(%run_scoped3A : memref<!tpu.dma_semaphore, #tpu.memory_space<semaphore_mem>>)
        %dma_wait3A_50 = tpu.memref_slice %arg3[%min3A_35] : memref<20000xi32, #tpu.memory_space<hbm>> -> memref<128xi32, #tpu.memory_space<hbm>>
        %dma_wait3A_51 = tpu.memref_slice %arg3[%min3A_35] : memref<20000xi32, #tpu.memory_space<hbm>> -> memref<128xi32, #tpu.memory_space<hbm>>
        tpu.wait_dma2 semaphore(%run_scoped3A : memref<!tpu.dma_semaphore, #tpu.memory_space<semaphore_mem>>) src(%dma_wait3A_51 : memref<128xi32, #tpu.memory_space<hbm>>) dst(%arg5 : memref<128xi32, #tpu.memory_space<vmem>>)
        tpu.yield
      }) : () -> ()
      %dma_wait3A = arith.constant 0 : i32
      %dma_wait3A_39 = tpu.memref_slice %arg2[%min3A_35, %dma_wait3A] : memref<20000x384xf32, #tpu.memory_space<hbm>> -> memref<128x384xf32, #tpu.memory_space<hbm>>
      %dma_wait3A_40 = arith.constant 0 : i32
      %dma_wait3A_41 = tpu.memref_slice %arg2[%min3A_35, %dma_wait3A_40] : memref<20000x384xf32, #tpu.memory_space<hbm>> -> memref<128x384xf32, #tpu.memory_space<hbm>>
      tpu.wait_dma2 semaphore(%arg7 : memref<!tpu.dma_semaphore, #tpu.memory_space<semaphore_mem>>) src(%dma_wait3A_41 : memref<128x384xf32, #tpu.memory_space<hbm>>) dst(%arg6 : memref<128x384xf32, #tpu.memory_space<vmem>>)
      %dma_start3A_42 = arith.constant 0 : i32
      %dma_start3A_43 = arith.constant 0 : i32
      %dma_start3A_44 = tpu.memref_slice %arg4[%dma_start3A_42, %dma_start3A_43] : memref<23552x384xf32, #tpu.memory_space<hbm>> -> memref<23552x384xf32, #tpu.memory_space<hbm>>
      tpu.enqueue_indirect_dma source(%arg6 : memref<128x384xf32, #tpu.memory_space<vmem>>) target(%dma_start3A_44 : memref<23552x384xf32, #tpu.memory_space<hbm>>) offsets(%arg5 : memref<128xi32, #tpu.memory_space<vmem>>) semaphore(%arg7 : memref<!tpu.dma_semaphore, #tpu.memory_space<semaphore_mem>>)
      %dma_wait3A_45 = arith.constant 0 : i32
      %dma_wait3A_46 = arith.constant 0 : i32
      %dma_wait3A_47 = tpu.memref_slice %arg4[%dma_wait3A_45, %dma_wait3A_46] : memref<23552x384xf32, #tpu.memory_space<hbm>> -> memref<23552x384xf32, #tpu.memory_space<hbm>>
      tpu.wait_indirect_dma semaphore(%arg7 : memref<!tpu.dma_semaphore, #tpu.memory_space<semaphore_mem>>) src(%arg6 : memref<128x384xf32, #tpu.memory_space<vmem>>) dst(%dma_wait3A_47 : memref<23552x384xf32, #tpu.memory_space<hbm>>)
    } else {
    }
    %add3A_12 = arith.constant 64 : i32
    %add3A_13 = arith.addi %add3A, %add3A_12 : i32
    %lt3A_14 = arith.constant 157 : i32
    %lt3A_15 = arith.cmpi slt, %add3A_13, %lt3A_14 : i32
    %convert_element_type3A_16 = arith.extui %lt3A_15 : i1 to i32
    %cond3A_17 = arith.constant 0 : i32
    %cond3A_18 = arith.cmpi ne, %convert_element_type3A_16, %cond3A_17 : i32
    scf.if %cond3A_18 {
      %mul3A_33 = arith.constant 128 : i32
      %mul3A_34 = arith.muli %add3A_13, %mul3A_33 : i32
      %min3A = arith.constant 19872 : i32
      %min3A_35 = arith.minsi %mul3A_34, %min3A : i32
      %dma_start3A = arith.constant 0 : i32
      %dma_start3A_36 = tpu.memref_slice %arg2[%min3A_35, %dma_start3A] : memref<20000x384xf32, #tpu.memory_space<hbm>> -> memref<128x384xf32, #tpu.memory_space<hbm>>
      %dma_start3A_37 = arith.constant 0 : i32
      %dma_start3A_38 = tpu.memref_slice %arg2[%min3A_35, %dma_start3A_37] : memref<20000x384xf32, #tpu.memory_space<hbm>> -> memref<128x384xf32, #tpu.memory_space<hbm>>
      tpu.enqueue_dma source(%dma_start3A_38 : memref<128x384xf32, #tpu.memory_space<hbm>>) target(%arg6 : memref<128x384xf32, #tpu.memory_space<vmem>>) target_semaphore(%arg7 : memref<!tpu.dma_semaphore, #tpu.memory_space<semaphore_mem>>)
      "tpu.region"() ({
        %run_scoped3A = tpu.sem_alloc : memref<!tpu.dma_semaphore, #tpu.memory_space<semaphore_mem>>
        %dma_start3A_48 = tpu.memref_slice %arg3[%min3A_35] : memref<20000xi32, #tpu.memory_space<hbm>> -> memref<128xi32, #tpu.memory_space<hbm>>
        %dma_start3A_49 = tpu.memref_slice %arg3[%min3A_35] : memref<20000xi32, #tpu.memory_space<hbm>> -> memref<128xi32, #tpu.memory_space<hbm>>
        tpu.enqueue_dma source(%dma_start3A_49 : memref<128xi32, #tpu.memory_space<hbm>>) target(%arg5 : memref<128xi32, #tpu.memory_space<vmem>>) target_semaphore(%run_scoped3A : memref<!tpu.dma_semaphore, #tpu.memory_space<semaphore_mem>>)
        %dma_wait3A_50 = tpu.memref_slice %arg3[%min3A_35] : memref<20000xi32, #tpu.memory_space<hbm>> -> memref<128xi32, #tpu.memory_space<hbm>>
        %dma_wait3A_51 = tpu.memref_slice %arg3[%min3A_35] : memref<20000xi32, #tpu.memory_space<hbm>> -> memref<128xi32, #tpu.memory_space<hbm>>
        tpu.wait_dma2 semaphore(%run_scoped3A : memref<!tpu.dma_semaphore, #tpu.memory_space<semaphore_mem>>) src(%dma_wait3A_51 : memref<128xi32, #tpu.memory_space<hbm>>) dst(%arg5 : memref<128xi32, #tpu.memory_space<vmem>>)
        tpu.yield
      }) : () -> ()
      %dma_wait3A = arith.constant 0 : i32
      %dma_wait3A_39 = tpu.memref_slice %arg2[%min3A_35, %dma_wait3A] : memref<20000x384xf32, #tpu.memory_space<hbm>> -> memref<128x384xf32, #tpu.memory_space<hbm>>
      %dma_wait3A_40 = arith.constant 0 : i32
      %dma_wait3A_41 = tpu.memref_slice %arg2[%min3A_35, %dma_wait3A_40] : memref<20000x384xf32, #tpu.memory_space<hbm>> -> memref<128x384xf32, #tpu.memory_space<hbm>>
      tpu.wait_dma2 semaphore(%arg7 : memref<!tpu.dma_semaphore, #tpu.memory_space<semaphore_mem>>) src(%dma_wait3A_41 : memref<128x384xf32, #tpu.memory_space<hbm>>) dst(%arg6 : memref<128x384xf32, #tpu.memory_space<vmem>>)
      %dma_start3A_42 = arith.constant 0 : i32
      %dma_start3A_43 = arith.constant 0 : i32
      %dma_start3A_44 = tpu.memref_slice %arg4[%dma_start3A_42, %dma_start3A_43] : memref<23552x384xf32, #tpu.memory_space<hbm>> -> memref<23552x384xf32, #tpu.memory_space<hbm>>
      tpu.enqueue_indirect_dma source(%arg6 : memref<128x384xf32, #tpu.memory_space<vmem>>) target(%dma_start3A_44 : memref<23552x384xf32, #tpu.memory_space<hbm>>) offsets(%arg5 : memref<128xi32, #tpu.memory_space<vmem>>) semaphore(%arg7 : memref<!tpu.dma_semaphore, #tpu.memory_space<semaphore_mem>>)
      %dma_wait3A_45 = arith.constant 0 : i32
      %dma_wait3A_46 = arith.constant 0 : i32
      %dma_wait3A_47 = tpu.memref_slice %arg4[%dma_wait3A_45, %dma_wait3A_46] : memref<23552x384xf32, #tpu.memory_space<hbm>> -> memref<23552x384xf32, #tpu.memory_space<hbm>>
      tpu.wait_indirect_dma semaphore(%arg7 : memref<!tpu.dma_semaphore, #tpu.memory_space<semaphore_mem>>) src(%arg6 : memref<128x384xf32, #tpu.memory_space<vmem>>) dst(%dma_wait3A_47 : memref<23552x384xf32, #tpu.memory_space<hbm>>)
    } else {
    }
    %add3A_19 = arith.constant 96 : i32
    %add3A_20 = arith.addi %add3A, %add3A_19 : i32
    %lt3A_21 = arith.constant 157 : i32
    %lt3A_22 = arith.cmpi slt, %add3A_20, %lt3A_21 : i32
    %convert_element_type3A_23 = arith.extui %lt3A_22 : i1 to i32
    %cond3A_24 = arith.constant 0 : i32
    %cond3A_25 = arith.cmpi ne, %convert_element_type3A_23, %cond3A_24 : i32
    scf.if %cond3A_25 {
      %mul3A_33 = arith.constant 128 : i32
      %mul3A_34 = arith.muli %add3A_20, %mul3A_33 : i32
      %min3A = arith.constant 19872 : i32
      %min3A_35 = arith.minsi %mul3A_34, %min3A : i32
      %dma_start3A = arith.constant 0 : i32
      %dma_start3A_36 = tpu.memref_slice %arg2[%min3A_35, %dma_start3A] : memref<20000x384xf32, #tpu.memory_space<hbm>> -> memref<128x384xf32, #tpu.memory_space<hbm>>
      %dma_start3A_37 = arith.constant 0 : i32
      %dma_start3A_38 = tpu.memref_slice %arg2[%min3A_35, %dma_start3A_37] : memref<20000x384xf32, #tpu.memory_space<hbm>> -> memref<128x384xf32, #tpu.memory_space<hbm>>
      tpu.enqueue_dma source(%dma_start3A_38 : memref<128x384xf32, #tpu.memory_space<hbm>>) target(%arg6 : memref<128x384xf32, #tpu.memory_space<vmem>>) target_semaphore(%arg7 : memref<!tpu.dma_semaphore, #tpu.memory_space<semaphore_mem>>)
      "tpu.region"() ({
        %run_scoped3A = tpu.sem_alloc : memref<!tpu.dma_semaphore, #tpu.memory_space<semaphore_mem>>
        %dma_start3A_48 = tpu.memref_slice %arg3[%min3A_35] : memref<20000xi32, #tpu.memory_space<hbm>> -> memref<128xi32, #tpu.memory_space<hbm>>
        %dma_start3A_49 = tpu.memref_slice %arg3[%min3A_35] : memref<20000xi32, #tpu.memory_space<hbm>> -> memref<128xi32, #tpu.memory_space<hbm>>
        tpu.enqueue_dma source(%dma_start3A_49 : memref<128xi32, #tpu.memory_space<hbm>>) target(%arg5 : memref<128xi32, #tpu.memory_space<vmem>>) target_semaphore(%run_scoped3A : memref<!tpu.dma_semaphore, #tpu.memory_space<semaphore_mem>>)
        %dma_wait3A_50 = tpu.memref_slice %arg3[%min3A_35] : memref<20000xi32, #tpu.memory_space<hbm>> -> memref<128xi32, #tpu.memory_space<hbm>>
        %dma_wait3A_51 = tpu.memref_slice %arg3[%min3A_35] : memref<20000xi32, #tpu.memory_space<hbm>> -> memref<128xi32, #tpu.memory_space<hbm>>
        tpu.wait_dma2 semaphore(%run_scoped3A : memref<!tpu.dma_semaphore, #tpu.memory_space<semaphore_mem>>) src(%dma_wait3A_51 : memref<128xi32, #tpu.memory_space<hbm>>) dst(%arg5 : memref<128xi32, #tpu.memory_space<vmem>>)
        tpu.yield
      }) : () -> ()
      %dma_wait3A = arith.constant 0 : i32
      %dma_wait3A_39 = tpu.memref_slice %arg2[%min3A_35, %dma_wait3A] : memref<20000x384xf32, #tpu.memory_space<hbm>> -> memref<128x384xf32, #tpu.memory_space<hbm>>
      %dma_wait3A_40 = arith.constant 0 : i32
      %dma_wait3A_41 = tpu.memref_slice %arg2[%min3A_35, %dma_wait3A_40] : memref<20000x384xf32, #tpu.memory_space<hbm>> -> memref<128x384xf32, #tpu.memory_space<hbm>>
      tpu.wait_dma2 semaphore(%arg7 : memref<!tpu.dma_semaphore, #tpu.memory_space<semaphore_mem>>) src(%dma_wait3A_41 : memref<128x384xf32, #tpu.memory_space<hbm>>) dst(%arg6 : memref<128x384xf32, #tpu.memory_space<vmem>>)
      %dma_start3A_42 = arith.constant 0 : i32
      %dma_start3A_43 = arith.constant 0 : i32
      %dma_start3A_44 = tpu.memref_slice %arg4[%dma_start3A_42, %dma_start3A_43] : memref<23552x384xf32, #tpu.memory_space<hbm>> -> memref<23552x384xf32, #tpu.memory_space<hbm>>
      tpu.enqueue_indirect_dma source(%arg6 : memref<128x384xf32, #tpu.memory_space<vmem>>) target(%dma_start3A_44 : memref<23552x384xf32, #tpu.memory_space<hbm>>) offsets(%arg5 : memref<128xi32, #tpu.memory_space<vmem>>) semaphore(%arg7 : memref<!tpu.dma_semaphore, #tpu.memory_space<semaphore_mem>>)
      %dma_wait3A_45 = arith.constant 0 : i32
      %dma_wait3A_46 = arith.constant 0 : i32
      %dma_wait3A_47 = tpu.memref_slice %arg4[%dma_wait3A_45, %dma_wait3A_46] : memref<23552x384xf32, #tpu.memory_space<hbm>> -> memref<23552x384xf32, #tpu.memory_space<hbm>>
      tpu.wait_indirect_dma semaphore(%arg7 : memref<!tpu.dma_semaphore, #tpu.memory_space<semaphore_mem>>) src(%arg6 : memref<128x384xf32, #tpu.memory_space<vmem>>) dst(%dma_wait3A_47 : memref<23552x384xf32, #tpu.memory_space<hbm>>)
    } else {
    }
    %add3A_26 = arith.constant 128 : i32
    %add3A_27 = arith.addi %add3A, %add3A_26 : i32
    %lt3A_28 = arith.constant 157 : i32
    %lt3A_29 = arith.cmpi slt, %add3A_27, %lt3A_28 : i32
    %convert_element_type3A_30 = arith.extui %lt3A_29 : i1 to i32
    %cond3A_31 = arith.constant 0 : i32
    %cond3A_32 = arith.cmpi ne, %convert_element_type3A_30, %cond3A_31 : i32
    scf.if %cond3A_32 {
      %mul3A_33 = arith.constant 128 : i32
      %mul3A_34 = arith.muli %add3A_27, %mul3A_33 : i32
      %min3A = arith.constant 19872 : i32
      %min3A_35 = arith.minsi %mul3A_34, %min3A : i32
      %dma_start3A = arith.constant 0 : i32
      %dma_start3A_36 = tpu.memref_slice %arg2[%min3A_35, %dma_start3A] : memref<20000x384xf32, #tpu.memory_space<hbm>> -> memref<128x384xf32, #tpu.memory_space<hbm>>
      %dma_start3A_37 = arith.constant 0 : i32
      %dma_start3A_38 = tpu.memref_slice %arg2[%min3A_35, %dma_start3A_37] : memref<20000x384xf32, #tpu.memory_space<hbm>> -> memref<128x384xf32, #tpu.memory_space<hbm>>
      tpu.enqueue_dma source(%dma_start3A_38 : memref<128x384xf32, #tpu.memory_space<hbm>>) target(%arg6 : memref<128x384xf32, #tpu.memory_space<vmem>>) target_semaphore(%arg7 : memref<!tpu.dma_semaphore, #tpu.memory_space<semaphore_mem>>)
      "tpu.region"() ({
        %run_scoped3A = tpu.sem_alloc : memref<!tpu.dma_semaphore, #tpu.memory_space<semaphore_mem>>
        %dma_start3A_48 = tpu.memref_slice %arg3[%min3A_35] : memref<20000xi32, #tpu.memory_space<hbm>> -> memref<128xi32, #tpu.memory_space<hbm>>
        %dma_start3A_49 = tpu.memref_slice %arg3[%min3A_35] : memref<20000xi32, #tpu.memory_space<hbm>> -> memref<128xi32, #tpu.memory_space<hbm>>
        tpu.enqueue_dma source(%dma_start3A_49 : memref<128xi32, #tpu.memory_space<hbm>>) target(%arg5 : memref<128xi32, #tpu.memory_space<vmem>>) target_semaphore(%run_scoped3A : memref<!tpu.dma_semaphore, #tpu.memory_space<semaphore_mem>>)
        %dma_wait3A_50 = tpu.memref_slice %arg3[%min3A_35] : memref<20000xi32, #tpu.memory_space<hbm>> -> memref<128xi32, #tpu.memory_space<hbm>>
        %dma_wait3A_51 = tpu.memref_slice %arg3[%min3A_35] : memref<20000xi32, #tpu.memory_space<hbm>> -> memref<128xi32, #tpu.memory_space<hbm>>
        tpu.wait_dma2 semaphore(%run_scoped3A : memref<!tpu.dma_semaphore, #tpu.memory_space<semaphore_mem>>) src(%dma_wait3A_51 : memref<128xi32, #tpu.memory_space<hbm>>) dst(%arg5 : memref<128xi32, #tpu.memory_space<vmem>>)
        tpu.yield
      }) : () -> ()
      %dma_wait3A = arith.constant 0 : i32
      %dma_wait3A_39 = tpu.memref_slice %arg2[%min3A_35, %dma_wait3A] : memref<20000x384xf32, #tpu.memory_space<hbm>> -> memref<128x384xf32, #tpu.memory_space<hbm>>
      %dma_wait3A_40 = arith.constant 0 : i32
      %dma_wait3A_41 = tpu.memref_slice %arg2[%min3A_35, %dma_wait3A_40] : memref<20000x384xf32, #tpu.memory_space<hbm>> -> memref<128x384xf32, #tpu.memory_space<hbm>>
      tpu.wait_dma2 semaphore(%arg7 : memref<!tpu.dma_semaphore, #tpu.memory_space<semaphore_mem>>) src(%dma_wait3A_41 : memref<128x384xf32, #tpu.memory_space<hbm>>) dst(%arg6 : memref<128x384xf32, #tpu.memory_space<vmem>>)
      %dma_start3A_42 = arith.constant 0 : i32
      %dma_start3A_43 = arith.constant 0 : i32
      %dma_start3A_44 = tpu.memref_slice %arg4[%dma_start3A_42, %dma_start3A_43] : memref<23552x384xf32, #tpu.memory_space<hbm>> -> memref<23552x384xf32, #tpu.memory_space<hbm>>
      tpu.enqueue_indirect_dma source(%arg6 : memref<128x384xf32, #tpu.memory_space<vmem>>) target(%dma_start3A_44 : memref<23552x384xf32, #tpu.memory_space<hbm>>) offsets(%arg5 : memref<128xi32, #tpu.memory_space<vmem>>) semaphore(%arg7 : memref<!tpu.dma_semaphore, #tpu.memory_space<semaphore_mem>>)
      %dma_wait3A_45 = arith.constant 0 : i32
      %dma_wait3A_46 = arith.constant 0 : i32
      %dma_wait3A_47 = tpu.memref_slice %arg4[%dma_wait3A_45, %dma_wait3A_46] : memref<23552x384xf32, #tpu.memory_space<hbm>> -> memref<23552x384xf32, #tpu.memory_space<hbm>>
      tpu.wait_indirect_dma semaphore(%arg7 : memref<!tpu.dma_semaphore, #tpu.memory_space<semaphore_mem>>) src(%arg6 : memref<128x384xf32, #tpu.memory_space<vmem>>) dst(%dma_wait3A_47 : memref<23552x384xf32, #tpu.memory_space<hbm>>)
    } else {
    }
    return
  }
}

module attributes {stable_mosaic.version = 14 : i64} {
  func.func @_tc_ffn_body(%arg0: i32, %arg1: memref<23xi32, #tpu.memory_space<smem>>, %arg2: memref<23xi32, #tpu.memory_space<smem>>, %arg3: memref<1024x384xf32, #tpu.memory_space<vmem>>, %arg4: memref<1x384x1280xbf16, #tpu.memory_space<vmem>>, %arg5: memref<1x384x1280xbf16, #tpu.memory_space<vmem>>, %arg6: memref<1x1x1280xf32, #tpu.memory_space<vmem>>, %arg7: memref<1x8x160x128xbf16, #tpu.memory_space<vmem>>, %arg8: memref<1x8x160x128xbf16, #tpu.memory_space<vmem>>, %arg9: memref<1x8x1x128xf32, #tpu.memory_space<vmem>>, %arg10: memref<1x8x128x96xbf16, #tpu.memory_space<vmem>>, %arg11: memref<1x8x128x96xbf16, #tpu.memory_space<vmem>>, %arg12: memref<1x8x1x96xf32, #tpu.memory_space<vmem>>, %arg13: memref<1x8x96x1xf32, #tpu.memory_space<vmem>>, %arg14: memref<1x8x1x1xf32, #tpu.memory_space<vmem>>, %arg15: memref<1x1xf32, #tpu.memory_space<vmem>>) attributes {dimension_semantics = [#tpu.dimension_semantics<arbitrary>], iteration_bounds = array<i64: 23>, scalar_prefetch = 2 : i64, scratch_operands = 0 : i64, tpu.core_type = #tpu.core_type<tc>, window_params = [{transform_indices = @transform_0, window_bounds = array<i64: 1024, 384>}, {transform_indices = @transform_1, window_bounds = array<i64: 1, 384, 1280>}, {transform_indices = @transform_2, window_bounds = array<i64: 1, 384, 1280>}, {transform_indices = @transform_3, window_bounds = array<i64: 1, 1, 1280>}, {transform_indices = @transform_4, window_bounds = array<i64: 1, 8, 160, 128>}, {transform_indices = @transform_5, window_bounds = array<i64: 1, 8, 160, 128>}, {transform_indices = @transform_6, window_bounds = array<i64: 1, 8, 1, 128>}, {transform_indices = @transform_7, window_bounds = array<i64: 1, 8, 128, 96>}, {transform_indices = @transform_8, window_bounds = array<i64: 1, 8, 128, 96>}, {transform_indices = @transform_9, window_bounds = array<i64: 1, 8, 1, 96>}, {transform_indices = @transform_10, window_bounds = array<i64: 1, 8, 96, 1>}, {transform_indices = @transform_11, window_bounds = array<i64: 1, 8, 1, 1>}, {pipeline_mode = #tpu.pipeline_mode<synchronous>, transform_indices = @transform_12, window_bounds = array<i64: 1, 1>}]} {
    %eq3A = arith.constant 0 : i32
    %eq3A_0 = arith.cmpi eq, %arg0, %eq3A : i32
    %convert_element_type3A = arith.extui %eq3A_0 : i1 to i32
    %cond3A = arith.constant 0 : i32
    %cond3A_1 = arith.cmpi ne, %convert_element_type3A, %cond3A : i32
    scf.if %cond3A_1 {
      %broadcast_in_dim3A = arith.constant 0.000000e+00 : f32
      %broadcast_in_dim3A_7 = vector.broadcast %broadcast_in_dim3A : f32 to vector<1x1xf32>
      %swap3A = arith.constant 0 : index
      %swap3A_8 = arith.constant 0 : index
      %swap3A_9 = vector.load %arg15[%swap3A, %swap3A_8] : memref<1x1xf32, #tpu.memory_space<vmem>>, vector<1x1xf32>
      tpu.vector_store %arg15[%swap3A, %swap3A_8], %broadcast_in_dim3A_7 {strides = array<i32>} : memref<1x1xf32, #tpu.memory_space<vmem>>, vector<1x1xf32>,
    } else {
    }
    %get3A = arith.index_cast %arg0 : i32 to index
    %get3A_2 = memref.load %arg2[%get3A] : memref<23xi32, #tpu.memory_space<smem>>
    %gt3A = arith.constant 0 : i32
    %gt3A_3 = arith.cmpi sgt, %get3A_2, %gt3A : i32
    %convert_element_type3A_4 = arith.extui %gt3A_3 : i1 to i32
    %cond3A_5 = arith.constant 0 : i32
    %cond3A_6 = arith.cmpi ne, %convert_element_type3A_4, %cond3A_5 : i32
    scf.if %cond3A_6 {
      %get3A_7 = arith.constant 0 : index
      %get3A_8 = arith.constant 0 : index
      %get3A_9 = vector.load %arg3[%get3A_7, %get3A_8] : memref<1024x384xf32, #tpu.memory_space<vmem>>, vector<1024x384xf32>
      %convert_element_type3A_10 = arith.truncf %get3A_9 : vector<1024x384xf32> to vector<1024x384xbf16>
      %convert_element_type3A_11 = arith.extf %convert_element_type3A_10 : vector<1024x384xbf16> to vector<1024x384xf32>
      %sub3A = arith.subf %get3A_9, %convert_element_type3A_11 : vector<1024x384xf32>
      %convert_element_type3A_12 = arith.truncf %sub3A : vector<1024x384xf32> to vector<1024x384xbf16>
      %get3A_13 = arith.constant 0 : index
      %get3A_14 = arith.constant 0 : index
      %get3A_15 = arith.constant 0 : index
      %get3A_16 = vector.load %arg4[%get3A_13, %get3A_14, %get3A_15] : memref<1x384x1280xbf16, #tpu.memory_space<vmem>>, vector<1x384x1280xbf16>
      %get3A_17 = vector.shape_cast %get3A_16 : vector<1x384x1280xbf16> to vector<384x1280xbf16>
      %get3A_18 = arith.constant 0 : index
      %get3A_19 = arith.constant 0 : index
      %get3A_20 = arith.constant 0 : index
      %get3A_21 = vector.load %arg5[%get3A_18, %get3A_19, %get3A_20] : memref<1x384x1280xbf16, #tpu.memory_space<vmem>>, vector<1x384x1280xbf16>
      %get3A_22 = vector.shape_cast %get3A_21 : vector<1x384x1280xbf16> to vector<384x1280xbf16>
      %dot_general3A = arith.constant dense<0.000000e+00> : vector<1024x1280xf32>
      %dot_general3A_23 = tpu.matmul %convert_element_type3A_10, %get3A_17, %dot_general3A {dimension_numbers = #tpu.dot_dimension_numbers<[1], [0], [0], [1], [0, 0, 1, 1], [], []>, transpose_lhs_hint = false} : vector<1024x384xbf16>, vector<384x1280xbf16>, vector<1024x1280xf32> -> vector<1024x1280xf32>
      %dot_general3A_24 = arith.constant dense<0.000000e+00> : vector<1024x1280xf32>
      %dot_general3A_25 = tpu.matmul %convert_element_type3A_12, %get3A_17, %dot_general3A_24 {dimension_numbers = #tpu.dot_dimension_numbers<[1], [0], [0], [1], [0, 0, 1, 1], [], []>, transpose_lhs_hint = false} : vector<1024x384xbf16>, vector<384x1280xbf16>, vector<1024x1280xf32> -> vector<1024x1280xf32>
      %add3A = arith.addf %dot_general3A_23, %dot_general3A_25 : vector<1024x1280xf32>
      %dot_general3A_26 = arith.constant dense<0.000000e+00> : vector<1024x1280xf32>
      %dot_general3A_27 = tpu.matmul %convert_element_type3A_10, %get3A_22, %dot_general3A_26 {dimension_numbers = #tpu.dot_dimension_numbers<[1], [0], [0], [1], [0, 0, 1, 1], [], []>, transpose_lhs_hint = false} : vector<1024x384xbf16>, vector<384x1280xbf16>, vector<1024x1280xf32> -> vector<1024x1280xf32>
      %add3A_28 = arith.addf %add3A, %dot_general3A_27 : vector<1024x1280xf32>
      %get3A_29 = arith.constant 0 : index
      %get3A_30 = arith.constant 0 : index
      %get3A_31 = arith.constant 0 : index
      %get3A_32 = vector.load %arg6[%get3A_29, %get3A_30, %get3A_31] : memref<1x1x1280xf32, #tpu.memory_space<vmem>>, vector<1x1x1280xf32>
      %get3A_33 = vector.shape_cast %get3A_32 : vector<1x1x1280xf32> to vector<1x1280xf32>
      %add3A_34 = vector.broadcast %get3A_33 : vector<1x1280xf32> to vector<1024x1280xf32>
      %add3A_35 = arith.addf %add3A_28, %add3A_34 : vector<1024x1280xf32>
      %gt3A_36 = arith.constant 0.000000e+00 : f32
      %gt3A_37 = vector.broadcast %gt3A_36 : f32 to vector<1024x1280xf32>
      %gt3A_38 = arith.cmpf ogt, %add3A_35, %gt3A_37 : vector<1024x1280xf32>
      %div3A = arith.constant 1.000000e-01 : f32
      %div3A_39 = vector.broadcast %div3A : f32 to vector<1024x1280xf32>
      %div3A_40 = arith.divf %add3A_35, %div3A_39 : vector<1024x1280xf32>
      %exp3A = math.exp %div3A_40 : vector<1024x1280xf32>
      %sub3A_41 = arith.constant 1.000000e+00 : f32
      %sub3A_42 = vector.broadcast %sub3A_41 : f32 to vector<1024x1280xf32>
      %sub3A_43 = arith.subf %exp3A, %sub3A_42 : vector<1024x1280xf32>
      %mul3A = arith.constant 1.000000e-01 : f32
      %mul3A_44 = vector.broadcast %mul3A : f32 to vector<1024x1280xf32>
      %mul3A_45 = arith.mulf %mul3A_44, %sub3A_43 : vector<1024x1280xf32>
      %select_n3A = arith.select %gt3A_38, %add3A_35, %mul3A_45 : vector<1024x1280xi1>, vector<1024x1280xf32>
      %broadcast_in_dim3A = arith.constant 0.000000e+00 : f32
      %broadcast_in_dim3A_46 = vector.broadcast %broadcast_in_dim3A : f32 to vector<1024x1xf32>
      %slice3A = vector.extract_strided_slice %select_n3A {offsets = [0, 0], sizes = [1024, 160], strides = [1, 1]} : vector<1024x1280xf32> to vector<1024x160xf32>
      %convert_element_type3A_47 = arith.truncf %slice3A : vector<1024x160xf32> to vector<1024x160xbf16>
      %convert_element_type3A_48 = arith.extf %convert_element_type3A_47 : vector<1024x160xbf16> to vector<1024x160xf32>
      %sub3A_49 = arith.subf %slice3A, %convert_element_type3A_48 : vector<1024x160xf32>
      %convert_element_type3A_50 = arith.truncf %sub3A_49 : vector<1024x160xf32> to vector<1024x160xbf16>
      %get3A_51 = arith.constant 0 : index
      %get3A_52 = arith.constant 0 : index
      %get3A_53 = arith.constant 0 : index
      %get3A_54 = arith.constant 0 : index
      %get3A_55 = vector.load %arg7[%get3A_51, %get3A_52, %get3A_53, %get3A_54] : memref<1x8x160x128xbf16, #tpu.memory_space<vmem>>, vector<1x1x160x128xbf16>
      %get3A_56 = vector.shape_cast %get3A_55 : vector<1x1x160x128xbf16> to vector<160x128xbf16>
      %get3A_57 = arith.constant 0 : index
      %get3A_58 = arith.constant 0 : index
      %get3A_59 = arith.constant 0 : index
      %get3A_60 = arith.constant 0 : index
      %get3A_61 = vector.load %arg8[%get3A_57, %get3A_58, %get3A_59, %get3A_60] : memref<1x8x160x128xbf16, #tpu.memory_space<vmem>>, vector<1x1x160x128xbf16>
      %get3A_62 = vector.shape_cast %get3A_61 : vector<1x1x160x128xbf16> to vector<160x128xbf16>
      %dot_general3A_63 = arith.constant dense<0.000000e+00> : vector<1024x128xf32>
      %dot_general3A_64 = tpu.matmul %convert_element_type3A_47, %get3A_56, %dot_general3A_63 {dimension_numbers = #tpu.dot_dimension_numbers<[1], [0], [0], [1], [0, 0, 1, 1], [], []>, transpose_lhs_hint = false} : vector<1024x160xbf16>, vector<160x128xbf16>, vector<1024x128xf32> -> vector<1024x128xf32>
      %dot_general3A_65 = arith.constant dense<0.000000e+00> : vector<1024x128xf32>
      %dot_general3A_66 = tpu.matmul %convert_element_type3A_50, %get3A_56, %dot_general3A_65 {dimension_numbers = #tpu.dot_dimension_numbers<[1], [0], [0], [1], [0, 0, 1, 1], [], []>, transpose_lhs_hint = false} : vector<1024x160xbf16>, vector<160x128xbf16>, vector<1024x128xf32> -> vector<1024x128xf32>
      %add3A_67 = arith.addf %dot_general3A_64, %dot_general3A_66 : vector<1024x128xf32>
      %dot_general3A_68 = arith.constant dense<0.000000e+00> : vector<1024x128xf32>
      %dot_general3A_69 = tpu.matmul %convert_element_type3A_47, %get3A_62, %dot_general3A_68 {dimension_numbers = #tpu.dot_dimension_numbers<[1], [0], [0], [1], [0, 0, 1, 1], [], []>, transpose_lhs_hint = false} : vector<1024x160xbf16>, vector<160x128xbf16>, vector<1024x128xf32> -> vector<1024x128xf32>
      %add3A_70 = arith.addf %add3A_67, %dot_general3A_69 : vector<1024x128xf32>
      %get3A_71 = arith.constant 0 : index
      %get3A_72 = arith.constant 0 : index
      %get3A_73 = arith.constant 0 : index
      %get3A_74 = arith.constant 0 : index
      %get3A_75 = vector.load %arg9[%get3A_71, %get3A_72, %get3A_73, %get3A_74] : memref<1x8x1x128xf32, #tpu.memory_space<vmem>>, vector<1x1x1x128xf32>
      %get3A_76 = vector.shape_cast %get3A_75 : vector<1x1x1x128xf32> to vector<1x128xf32>
      %add3A_77 = vector.broadcast %get3A_76 : vector<1x128xf32> to vector<1024x128xf32>
      %add3A_78 = arith.addf %add3A_70, %add3A_77 : vector<1024x128xf32>
      %gt3A_79 = arith.constant 0.000000e+00 : f32
      %gt3A_80 = vector.broadcast %gt3A_79 : f32 to vector<1024x128xf32>
      %gt3A_81 = arith.cmpf ogt, %add3A_78, %gt3A_80 : vector<1024x128xf32>
      %div3A_82 = arith.constant 1.000000e-01 : f32
      %div3A_83 = vector.broadcast %div3A_82 : f32 to vector<1024x128xf32>
      %div3A_84 = arith.divf %add3A_78, %div3A_83 : vector<1024x128xf32>
      %exp3A_85 = math.exp %div3A_84 : vector<1024x128xf32>
      %sub3A_86 = arith.constant 1.000000e+00 : f32
      %sub3A_87 = vector.broadcast %sub3A_86 : f32 to vector<1024x128xf32>
      %sub3A_88 = arith.subf %exp3A_85, %sub3A_87 : vector<1024x128xf32>
      %mul3A_89 = arith.constant 1.000000e-01 : f32
      %mul3A_90 = vector.broadcast %mul3A_89 : f32 to vector<1024x128xf32>
      %mul3A_91 = arith.mulf %mul3A_90, %sub3A_88 : vector<1024x128xf32>
      %select_n3A_92 = arith.select %gt3A_81, %add3A_78, %mul3A_91 : vector<1024x128xi1>, vector<1024x128xf32>
      %convert_element_type3A_93 = arith.truncf %select_n3A_92 : vector<1024x128xf32> to vector<1024x128xbf16>
      %convert_element_type3A_94 = arith.extf %convert_element_type3A_93 : vector<1024x128xbf16> to vector<1024x128xf32>
      %sub3A_95 = arith.subf %select_n3A_92, %convert_element_type3A_94 : vector<1024x128xf32>
      %convert_element_type3A_96 = arith.truncf %sub3A_95 : vector<1024x128xf32> to vector<1024x128xbf16>
      %get3A_97 = arith.constant 0 : index
      %get3A_98 = arith.constant 0 : index
      %get3A_99 = arith.constant 0 : index
      %get3A_100 = arith.constant 0 : index
      %get3A_101 = vector.load %arg10[%get3A_97, %get3A_98, %get3A_99, %get3A_100] : memref<1x8x128x96xbf16, #tpu.memory_space<vmem>>, vector<1x1x128x96xbf16>
      %get3A_102 = vector.shape_cast %get3A_101 : vector<1x1x128x96xbf16> to vector<128x96xbf16>
      %get3A_103 = arith.constant 0 : index
      %get3A_104 = arith.constant 0 : index
      %get3A_105 = arith.constant 0 : index
      %get3A_106 = arith.constant 0 : index
      %get3A_107 = vector.load %arg11[%get3A_103, %get3A_104, %get3A_105, %get3A_106] : memref<1x8x128x96xbf16, #tpu.memory_space<vmem>>, vector<1x1x128x96xbf16>
      %get3A_108 = vector.shape_cast %get3A_107 : vector<1x1x128x96xbf16> to vector<128x96xbf16>
      %dot_general3A_109 = arith.constant dense<0.000000e+00> : vector<1024x96xf32>
      %dot_general3A_110 = tpu.matmul %convert_element_type3A_93, %get3A_102, %dot_general3A_109 {dimension_numbers = #tpu.dot_dimension_numbers<[1], [0], [0], [1], [0, 0, 1, 1], [], []>, transpose_lhs_hint = false} : vector<1024x128xbf16>, vector<128x96xbf16>, vector<1024x96xf32> -> vector<1024x96xf32>
      %dot_general3A_111 = arith.constant dense<0.000000e+00> : vector<1024x96xf32>
      %dot_general3A_112 = tpu.matmul %convert_element_type3A_96, %get3A_102, %dot_general3A_111 {dimension_numbers = #tpu.dot_dimension_numbers<[1], [0], [0], [1], [0, 0, 1, 1], [], []>, transpose_lhs_hint = false} : vector<1024x128xbf16>, vector<128x96xbf16>, vector<1024x96xf32> -> vector<1024x96xf32>
      %add3A_113 = arith.addf %dot_general3A_110, %dot_general3A_112 : vector<1024x96xf32>
      %dot_general3A_114 = arith.constant dense<0.000000e+00> : vector<1024x96xf32>
      %dot_general3A_115 = tpu.matmul %convert_element_type3A_93, %get3A_108, %dot_general3A_114 {dimension_numbers = #tpu.dot_dimension_numbers<[1], [0], [0], [1], [0, 0, 1, 1], [], []>, transpose_lhs_hint = false} : vector<1024x128xbf16>, vector<128x96xbf16>, vector<1024x96xf32> -> vector<1024x96xf32>
      %add3A_116 = arith.addf %add3A_113, %dot_general3A_115 : vector<1024x96xf32>
      %get3A_117 = arith.constant 0 : index
      %get3A_118 = arith.constant 0 : index
      %get3A_119 = arith.constant 0 : index
      %get3A_120 = arith.constant 0 : index
      %get3A_121 = vector.load %arg12[%get3A_117, %get3A_118, %get3A_119, %get3A_120] : memref<1x8x1x96xf32, #tpu.memory_space<vmem>>, vector<1x1x1x96xf32>
      %get3A_122 = vector.shape_cast %get3A_121 : vector<1x1x1x96xf32> to vector<1x96xf32>
      %add3A_123 = vector.broadcast %get3A_122 : vector<1x96xf32> to vector<1024x96xf32>
      %add3A_124 = arith.addf %add3A_116, %add3A_123 : vector<1024x96xf32>
      %gt3A_125 = arith.constant 0.000000e+00 : f32
      %gt3A_126 = vector.broadcast %gt3A_125 : f32 to vector<1024x96xf32>
      %gt3A_127 = arith.cmpf ogt, %add3A_124, %gt3A_126 : vector<1024x96xf32>
      %div3A_128 = arith.constant 1.000000e-01 : f32
      %div3A_129 = vector.broadcast %div3A_128 : f32 to vector<1024x96xf32>
      %div3A_130 = arith.divf %add3A_124, %div3A_129 : vector<1024x96xf32>
      %exp3A_131 = math.exp %div3A_130 : vector<1024x96xf32>
      %sub3A_132 = arith.constant 1.000000e+00 : f32
      %sub3A_133 = vector.broadcast %sub3A_132 : f32 to vector<1024x96xf32>
      %sub3A_134 = arith.subf %exp3A_131, %sub3A_133 : vector<1024x96xf32>
      %mul3A_135 = arith.constant 1.000000e-01 : f32
      %mul3A_136 = vector.broadcast %mul3A_135 : f32 to vector<1024x96xf32>
      %mul3A_137 = arith.mulf %mul3A_136, %sub3A_134 : vector<1024x96xf32>
      %select_n3A_138 = arith.select %gt3A_127, %add3A_124, %mul3A_137 : vector<1024x96xi1>, vector<1024x96xf32>
      %get3A_139 = arith.constant 0 : index
      %get3A_140 = arith.constant 0 : index
      %get3A_141 = arith.constant 0 : index
      %get3A_142 = arith.constant 0 : index
      %get3A_143 = vector.load %arg13[%get3A_139, %get3A_140, %get3A_141, %get3A_142] : memref<1x8x96x1xf32, #tpu.memory_space<vmem>>, vector<1x1x96x1xf32>
      %get3A_144 = vector.shape_cast %get3A_143 : vector<1x1x96x1xf32> to vector<96x1xf32>
      %reshape3A = vector.shape_cast %get3A_144 : vector<96x1xf32> to vector<1x96xf32>
      %mul3A_145 = vector.broadcast %reshape3A : vector<1x96xf32> to vector<1024x96xf32>
      %mul3A_146 = arith.mulf %select_n3A_138, %mul3A_145 : vector<1024x96xf32>
      %reduce_sum3A = arith.constant dense<0.000000e+00> : vector<1024xf32>
      %reduce_sum3A_147 = vector.multi_reduction <add>, %mul3A_146, %reduce_sum3A [1] : vector<1024x96xf32> to vector<1024xf32>
      %broadcast_in_dim3A_148 = vector.shape_cast %reduce_sum3A_147 : vector<1024xf32> to vector<1024x1xf32>
      %add3A_149 = arith.addf %broadcast_in_dim3A_46, %broadcast_in_dim3A_148 : vector<1024x1xf32>
      %slice3A_150 = vector.extract_strided_slice %select_n3A {offsets = [0, 160], sizes = [1024, 160], strides = [1, 1]} : vector<1024x1280xf32> to vector<1024x160xf32>
      %convert_element_type3A_151 = arith.truncf %slice3A_150 : vector<1024x160xf32> to vector<1024x160xbf16>
      %convert_element_type3A_152 = arith.extf %convert_element_type3A_151 : vector<1024x160xbf16> to vector<1024x160xf32>
      %sub3A_153 = arith.subf %slice3A_150, %convert_element_type3A_152 : vector<1024x160xf32>
      %convert_element_type3A_154 = arith.truncf %sub3A_153 : vector<1024x160xf32> to vector<1024x160xbf16>
      %get3A_155 = arith.constant 0 : index
      %get3A_156 = arith.constant 1 : index
      %get3A_157 = arith.constant 0 : index
      %get3A_158 = arith.constant 0 : index
      %get3A_159 = vector.load %arg7[%get3A_155, %get3A_156, %get3A_157, %get3A_158] : memref<1x8x160x128xbf16, #tpu.memory_space<vmem>>, vector<1x1x160x128xbf16>
      %get3A_160 = vector.shape_cast %get3A_159 : vector<1x1x160x128xbf16> to vector<160x128xbf16>
      %get3A_161 = arith.constant 0 : index
      %get3A_162 = arith.constant 1 : index
      %get3A_163 = arith.constant 0 : index
      %get3A_164 = arith.constant 0 : index
      %get3A_165 = vector.load %arg8[%get3A_161, %get3A_162, %get3A_163, %get3A_164] : memref<1x8x160x128xbf16, #tpu.memory_space<vmem>>, vector<1x1x160x128xbf16>
      %get3A_166 = vector.shape_cast %get3A_165 : vector<1x1x160x128xbf16> to vector<160x128xbf16>
      %dot_general3A_167 = arith.constant dense<0.000000e+00> : vector<1024x128xf32>
      %dot_general3A_168 = tpu.matmul %convert_element_type3A_151, %get3A_160, %dot_general3A_167 {dimension_numbers = #tpu.dot_dimension_numbers<[1], [0], [0], [1], [0, 0, 1, 1], [], []>, transpose_lhs_hint = false} : vector<1024x160xbf16>, vector<160x128xbf16>, vector<1024x128xf32> -> vector<1024x128xf32>
      %dot_general3A_169 = arith.constant dense<0.000000e+00> : vector<1024x128xf32>
      %dot_general3A_170 = tpu.matmul %convert_element_type3A_154, %get3A_160, %dot_general3A_169 {dimension_numbers = #tpu.dot_dimension_numbers<[1], [0], [0], [1], [0, 0, 1, 1], [], []>, transpose_lhs_hint = false} : vector<1024x160xbf16>, vector<160x128xbf16>, vector<1024x128xf32> -> vector<1024x128xf32>
      %add3A_171 = arith.addf %dot_general3A_168, %dot_general3A_170 : vector<1024x128xf32>
      %dot_general3A_172 = arith.constant dense<0.000000e+00> : vector<1024x128xf32>
      %dot_general3A_173 = tpu.matmul %convert_element_type3A_151, %get3A_166, %dot_general3A_172 {dimension_numbers = #tpu.dot_dimension_numbers<[1], [0], [0], [1], [0, 0, 1, 1], [], []>, transpose_lhs_hint = false} : vector<1024x160xbf16>, vector<160x128xbf16>, vector<1024x128xf32> -> vector<1024x128xf32>
      %add3A_174 = arith.addf %add3A_171, %dot_general3A_173 : vector<1024x128xf32>
      %get3A_175 = arith.constant 0 : index
      %get3A_176 = arith.constant 1 : index
      %get3A_177 = arith.constant 0 : index
      %get3A_178 = arith.constant 0 : index
      %get3A_179 = vector.load %arg9[%get3A_175, %get3A_176, %get3A_177, %get3A_178] : memref<1x8x1x128xf32, #tpu.memory_space<vmem>>, vector<1x1x1x128xf32>
      %get3A_180 = vector.shape_cast %get3A_179 : vector<1x1x1x128xf32> to vector<1x128xf32>
      %add3A_181 = vector.broadcast %get3A_180 : vector<1x128xf32> to vector<1024x128xf32>
      %add3A_182 = arith.addf %add3A_174, %add3A_181 : vector<1024x128xf32>
      %gt3A_183 = arith.constant 0.000000e+00 : f32
      %gt3A_184 = vector.broadcast %gt3A_183 : f32 to vector<1024x128xf32>
      %gt3A_185 = arith.cmpf ogt, %add3A_182, %gt3A_184 : vector<1024x128xf32>
      %div3A_186 = arith.constant 1.000000e-01 : f32
      %div3A_187 = vector.broadcast %div3A_186 : f32 to vector<1024x128xf32>
      %div3A_188 = arith.divf %add3A_182, %div3A_187 : vector<1024x128xf32>
      %exp3A_189 = math.exp %div3A_188 : vector<1024x128xf32>
      %sub3A_190 = arith.constant 1.000000e+00 : f32
      %sub3A_191 = vector.broadcast %sub3A_190 : f32 to vector<1024x128xf32>
      %sub3A_192 = arith.subf %exp3A_189, %sub3A_191 : vector<1024x128xf32>
      %mul3A_193 = arith.constant 1.000000e-01 : f32
      %mul3A_194 = vector.broadcast %mul3A_193 : f32 to vector<1024x128xf32>
      %mul3A_195 = arith.mulf %mul3A_194, %sub3A_192 : vector<1024x128xf32>
      %select_n3A_196 = arith.select %gt3A_185, %add3A_182, %mul3A_195 : vector<1024x128xi1>, vector<1024x128xf32>
      %convert_element_type3A_197 = arith.truncf %select_n3A_196 : vector<1024x128xf32> to vector<1024x128xbf16>
      %convert_element_type3A_198 = arith.extf %convert_element_type3A_197 : vector<1024x128xbf16> to vector<1024x128xf32>
      %sub3A_199 = arith.subf %select_n3A_196, %convert_element_type3A_198 : vector<1024x128xf32>
      %convert_element_type3A_200 = arith.truncf %sub3A_199 : vector<1024x128xf32> to vector<1024x128xbf16>
      %get3A_201 = arith.constant 0 : index
      %get3A_202 = arith.constant 1 : index
      %get3A_203 = arith.constant 0 : index
      %get3A_204 = arith.constant 0 : index
      %get3A_205 = vector.load %arg10[%get3A_201, %get3A_202, %get3A_203, %get3A_204] : memref<1x8x128x96xbf16, #tpu.memory_space<vmem>>, vector<1x1x128x96xbf16>
      %get3A_206 = vector.shape_cast %get3A_205 : vector<1x1x128x96xbf16> to vector<128x96xbf16>
      %get3A_207 = arith.constant 0 : index
      %get3A_208 = arith.constant 1 : index
      %get3A_209 = arith.constant 0 : index
      %get3A_210 = arith.constant 0 : index
      %get3A_211 = vector.load %arg11[%get3A_207, %get3A_208, %get3A_209, %get3A_210] : memref<1x8x128x96xbf16, #tpu.memory_space<vmem>>, vector<1x1x128x96xbf16>
      %get3A_212 = vector.shape_cast %get3A_211 : vector<1x1x128x96xbf16> to vector<128x96xbf16>
      %dot_general3A_213 = arith.constant dense<0.000000e+00> : vector<1024x96xf32>
      %dot_general3A_214 = tpu.matmul %convert_element_type3A_197, %get3A_206, %dot_general3A_213 {dimension_numbers = #tpu.dot_dimension_numbers<[1], [0], [0], [1], [0, 0, 1, 1], [], []>, transpose_lhs_hint = false} : vector<1024x128xbf16>, vector<128x96xbf16>, vector<1024x96xf32> -> vector<1024x96xf32>
      %dot_general3A_215 = arith.constant dense<0.000000e+00> : vector<1024x96xf32>
      %dot_general3A_216 = tpu.matmul %convert_element_type3A_200, %get3A_206, %dot_general3A_215 {dimension_numbers = #tpu.dot_dimension_numbers<[1], [0], [0], [1], [0, 0, 1, 1], [], []>, transpose_lhs_hint = false} : vector<1024x128xbf16>, vector<128x96xbf16>, vector<1024x96xf32> -> vector<1024x96xf32>
      %add3A_217 = arith.addf %dot_general3A_214, %dot_general3A_216 : vector<1024x96xf32>
      %dot_general3A_218 = arith.constant dense<0.000000e+00> : vector<1024x96xf32>
      %dot_general3A_219 = tpu.matmul %convert_element_type3A_197, %get3A_212, %dot_general3A_218 {dimension_numbers = #tpu.dot_dimension_numbers<[1], [0], [0], [1], [0, 0, 1, 1], [], []>, transpose_lhs_hint = false} : vector<1024x128xbf16>, vector<128x96xbf16>, vector<1024x96xf32> -> vector<1024x96xf32>
      %add3A_220 = arith.addf %add3A_217, %dot_general3A_219 : vector<1024x96xf32>
      %get3A_221 = arith.constant 0 : index
      %get3A_222 = arith.constant 1 : index
      %get3A_223 = arith.constant 0 : index
      %get3A_224 = arith.constant 0 : index
      %get3A_225 = vector.load %arg12[%get3A_221, %get3A_222, %get3A_223, %get3A_224] : memref<1x8x1x96xf32, #tpu.memory_space<vmem>>, vector<1x1x1x96xf32>
      %get3A_226 = vector.shape_cast %get3A_225 : vector<1x1x1x96xf32> to vector<1x96xf32>
      %add3A_227 = vector.broadcast %get3A_226 : vector<1x96xf32> to vector<1024x96xf32>
      %add3A_228 = arith.addf %add3A_220, %add3A_227 : vector<1024x96xf32>
      %gt3A_229 = arith.constant 0.000000e+00 : f32
      %gt3A_230 = vector.broadcast %gt3A_229 : f32 to vector<1024x96xf32>
      %gt3A_231 = arith.cmpf ogt, %add3A_228, %gt3A_230 : vector<1024x96xf32>
      %div3A_232 = arith.constant 1.000000e-01 : f32
      %div3A_233 = vector.broadcast %div3A_232 : f32 to vector<1024x96xf32>
      %div3A_234 = arith.divf %add3A_228, %div3A_233 : vector<1024x96xf32>
      %exp3A_235 = math.exp %div3A_234 : vector<1024x96xf32>
      %sub3A_236 = arith.constant 1.000000e+00 : f32
      %sub3A_237 = vector.broadcast %sub3A_236 : f32 to vector<1024x96xf32>
      %sub3A_238 = arith.subf %exp3A_235, %sub3A_237 : vector<1024x96xf32>
      %mul3A_239 = arith.constant 1.000000e-01 : f32
      %mul3A_240 = vector.broadcast %mul3A_239 : f32 to vector<1024x96xf32>
      %mul3A_241 = arith.mulf %mul3A_240, %sub3A_238 : vector<1024x96xf32>
      %select_n3A_242 = arith.select %gt3A_231, %add3A_228, %mul3A_241 : vector<1024x96xi1>, vector<1024x96xf32>
      %get3A_243 = arith.constant 0 : index
      %get3A_244 = arith.constant 1 : index
      %get3A_245 = arith.constant 0 : index
      %get3A_246 = arith.constant 0 : index
      %get3A_247 = vector.load %arg13[%get3A_243, %get3A_244, %get3A_245, %get3A_246] : memref<1x8x96x1xf32, #tpu.memory_space<vmem>>, vector<1x1x96x1xf32>
      %get3A_248 = vector.shape_cast %get3A_247 : vector<1x1x96x1xf32> to vector<96x1xf32>
      %reshape3A_249 = vector.shape_cast %get3A_248 : vector<96x1xf32> to vector<1x96xf32>
      %mul3A_250 = vector.broadcast %reshape3A_249 : vector<1x96xf32> to vector<1024x96xf32>
      %mul3A_251 = arith.mulf %select_n3A_242, %mul3A_250 : vector<1024x96xf32>
      %reduce_sum3A_252 = arith.constant dense<0.000000e+00> : vector<1024xf32>
      %reduce_sum3A_253 = vector.multi_reduction <add>, %mul3A_251, %reduce_sum3A_252 [1] : vector<1024x96xf32> to vector<1024xf32>
      %broadcast_in_dim3A_254 = vector.shape_cast %reduce_sum3A_253 : vector<1024xf32> to vector<1024x1xf32>
      %add3A_255 = arith.addf %add3A_149, %broadcast_in_dim3A_254 : vector<1024x1xf32>
      %slice3A_256 = vector.extract_strided_slice %select_n3A {offsets = [0, 320], sizes = [1024, 160], strides = [1, 1]} : vector<1024x1280xf32> to vector<1024x160xf32>
      %convert_element_type3A_257 = arith.truncf %slice3A_256 : vector<1024x160xf32> to vector<1024x160xbf16>
      %convert_element_type3A_258 = arith.extf %convert_element_type3A_257 : vector<1024x160xbf16> to vector<1024x160xf32>
      %sub3A_259 = arith.subf %slice3A_256, %convert_element_type3A_258 : vector<1024x160xf32>
      %convert_element_type3A_260 = arith.truncf %sub3A_259 : vector<1024x160xf32> to vector<1024x160xbf16>
      %get3A_261 = arith.constant 0 : index
      %get3A_262 = arith.constant 2 : index
      %get3A_263 = arith.constant 0 : index
      %get3A_264 = arith.constant 0 : index
      %get3A_265 = vector.load %arg7[%get3A_261, %get3A_262, %get3A_263, %get3A_264] : memref<1x8x160x128xbf16, #tpu.memory_space<vmem>>, vector<1x1x160x128xbf16>
      %get3A_266 = vector.shape_cast %get3A_265 : vector<1x1x160x128xbf16> to vector<160x128xbf16>
      %get3A_267 = arith.constant 0 : index
      %get3A_268 = arith.constant 2 : index
      %get3A_269 = arith.constant 0 : index
      %get3A_270 = arith.constant 0 : index
      %get3A_271 = vector.load %arg8[%get3A_267, %get3A_268, %get3A_269, %get3A_270] : memref<1x8x160x128xbf16, #tpu.memory_space<vmem>>, vector<1x1x160x128xbf16>
      %get3A_272 = vector.shape_cast %get3A_271 : vector<1x1x160x128xbf16> to vector<160x128xbf16>
      %dot_general3A_273 = arith.constant dense<0.000000e+00> : vector<1024x128xf32>
      %dot_general3A_274 = tpu.matmul %convert_element_type3A_257, %get3A_266, %dot_general3A_273 {dimension_numbers = #tpu.dot_dimension_numbers<[1], [0], [0], [1], [0, 0, 1, 1], [], []>, transpose_lhs_hint = false} : vector<1024x160xbf16>, vector<160x128xbf16>, vector<1024x128xf32> -> vector<1024x128xf32>
      %dot_general3A_275 = arith.constant dense<0.000000e+00> : vector<1024x128xf32>
      %dot_general3A_276 = tpu.matmul %convert_element_type3A_260, %get3A_266, %dot_general3A_275 {dimension_numbers = #tpu.dot_dimension_numbers<[1], [0], [0], [1], [0, 0, 1, 1], [], []>, transpose_lhs_hint = false} : vector<1024x160xbf16>, vector<160x128xbf16>, vector<1024x128xf32> -> vector<1024x128xf32>
      %add3A_277 = arith.addf %dot_general3A_274, %dot_general3A_276 : vector<1024x128xf32>
      %dot_general3A_278 = arith.constant dense<0.000000e+00> : vector<1024x128xf32>
      %dot_general3A_279 = tpu.matmul %convert_element_type3A_257, %get3A_272, %dot_general3A_278 {dimension_numbers = #tpu.dot_dimension_numbers<[1], [0], [0], [1], [0, 0, 1, 1], [], []>, transpose_lhs_hint = false} : vector<1024x160xbf16>, vector<160x128xbf16>, vector<1024x128xf32> -> vector<1024x128xf32>
      %add3A_280 = arith.addf %add3A_277, %dot_general3A_279 : vector<1024x128xf32>
      %get3A_281 = arith.constant 0 : index
      %get3A_282 = arith.constant 2 : index
      %get3A_283 = arith.constant 0 : index
      %get3A_284 = arith.constant 0 : index
      %get3A_285 = vector.load %arg9[%get3A_281, %get3A_282, %get3A_283, %get3A_284] : memref<1x8x1x128xf32, #tpu.memory_space<vmem>>, vector<1x1x1x128xf32>
      %get3A_286 = vector.shape_cast %get3A_285 : vector<1x1x1x128xf32> to vector<1x128xf32>
      %add3A_287 = vector.broadcast %get3A_286 : vector<1x128xf32> to vector<1024x128xf32>
      %add3A_288 = arith.addf %add3A_280, %add3A_287 : vector<1024x128xf32>
      %gt3A_289 = arith.constant 0.000000e+00 : f32
      %gt3A_290 = vector.broadcast %gt3A_289 : f32 to vector<1024x128xf32>
      %gt3A_291 = arith.cmpf ogt, %add3A_288, %gt3A_290 : vector<1024x128xf32>
      %div3A_292 = arith.constant 1.000000e-01 : f32
      %div3A_293 = vector.broadcast %div3A_292 : f32 to vector<1024x128xf32>
      %div3A_294 = arith.divf %add3A_288, %div3A_293 : vector<1024x128xf32>
      %exp3A_295 = math.exp %div3A_294 : vector<1024x128xf32>
      %sub3A_296 = arith.constant 1.000000e+00 : f32
      %sub3A_297 = vector.broadcast %sub3A_296 : f32 to vector<1024x128xf32>
      %sub3A_298 = arith.subf %exp3A_295, %sub3A_297 : vector<1024x128xf32>
      %mul3A_299 = arith.constant 1.000000e-01 : f32
      %mul3A_300 = vector.broadcast %mul3A_299 : f32 to vector<1024x128xf32>
      %mul3A_301 = arith.mulf %mul3A_300, %sub3A_298 : vector<1024x128xf32>
      %select_n3A_302 = arith.select %gt3A_291, %add3A_288, %mul3A_301 : vector<1024x128xi1>, vector<1024x128xf32>
      %convert_element_type3A_303 = arith.truncf %select_n3A_302 : vector<1024x128xf32> to vector<1024x128xbf16>
      %convert_element_type3A_304 = arith.extf %convert_element_type3A_303 : vector<1024x128xbf16> to vector<1024x128xf32>
      %sub3A_305 = arith.subf %select_n3A_302, %convert_element_type3A_304 : vector<1024x128xf32>
      %convert_element_type3A_306 = arith.truncf %sub3A_305 : vector<1024x128xf32> to vector<1024x128xbf16>
      %get3A_307 = arith.constant 0 : index
      %get3A_308 = arith.constant 2 : index
      %get3A_309 = arith.constant 0 : index
      %get3A_310 = arith.constant 0 : index
      %get3A_311 = vector.load %arg10[%get3A_307, %get3A_308, %get3A_309, %get3A_310] : memref<1x8x128x96xbf16, #tpu.memory_space<vmem>>, vector<1x1x128x96xbf16>
      %get3A_312 = vector.shape_cast %get3A_311 : vector<1x1x128x96xbf16> to vector<128x96xbf16>
      %get3A_313 = arith.constant 0 : index
      %get3A_314 = arith.constant 2 : index
      %get3A_315 = arith.constant 0 : index
      %get3A_316 = arith.constant 0 : index
      %get3A_317 = vector.load %arg11[%get3A_313, %get3A_314, %get3A_315, %get3A_316] : memref<1x8x128x96xbf16, #tpu.memory_space<vmem>>, vector<1x1x128x96xbf16>
      %get3A_318 = vector.shape_cast %get3A_317 : vector<1x1x128x96xbf16> to vector<128x96xbf16>
      %dot_general3A_319 = arith.constant dense<0.000000e+00> : vector<1024x96xf32>
      %dot_general3A_320 = tpu.matmul %convert_element_type3A_303, %get3A_312, %dot_general3A_319 {dimension_numbers = #tpu.dot_dimension_numbers<[1], [0], [0], [1], [0, 0, 1, 1], [], []>, transpose_lhs_hint = false} : vector<1024x128xbf16>, vector<128x96xbf16>, vector<1024x96xf32> -> vector<1024x96xf32>
      %dot_general3A_321 = arith.constant dense<0.000000e+00> : vector<1024x96xf32>
      %dot_general3A_322 = tpu.matmul %convert_element_type3A_306, %get3A_312, %dot_general3A_321 {dimension_numbers = #tpu.dot_dimension_numbers<[1], [0], [0], [1], [0, 0, 1, 1], [], []>, transpose_lhs_hint = false} : vector<1024x128xbf16>, vector<128x96xbf16>, vector<1024x96xf32> -> vector<1024x96xf32>
      %add3A_323 = arith.addf %dot_general3A_320, %dot_general3A_322 : vector<1024x96xf32>
      %dot_general3A_324 = arith.constant dense<0.000000e+00> : vector<1024x96xf32>
      %dot_general3A_325 = tpu.matmul %convert_element_type3A_303, %get3A_318, %dot_general3A_324 {dimension_numbers = #tpu.dot_dimension_numbers<[1], [0], [0], [1], [0, 0, 1, 1], [], []>, transpose_lhs_hint = false} : vector<1024x128xbf16>, vector<128x96xbf16>, vector<1024x96xf32> -> vector<1024x96xf32>
      %add3A_326 = arith.addf %add3A_323, %dot_general3A_325 : vector<1024x96xf32>
      %get3A_327 = arith.constant 0 : index
      %get3A_328 = arith.constant 2 : index
      %get3A_329 = arith.constant 0 : index
      %get3A_330 = arith.constant 0 : index
      %get3A_331 = vector.load %arg12[%get3A_327, %get3A_328, %get3A_329, %get3A_330] : memref<1x8x1x96xf32, #tpu.memory_space<vmem>>, vector<1x1x1x96xf32>
      %get3A_332 = vector.shape_cast %get3A_331 : vector<1x1x1x96xf32> to vector<1x96xf32>
      %add3A_333 = vector.broadcast %get3A_332 : vector<1x96xf32> to vector<1024x96xf32>
      %add3A_334 = arith.addf %add3A_326, %add3A_333 : vector<1024x96xf32>
      %gt3A_335 = arith.constant 0.000000e+00 : f32
      %gt3A_336 = vector.broadcast %gt3A_335 : f32 to vector<1024x96xf32>
      %gt3A_337 = arith.cmpf ogt, %add3A_334, %gt3A_336 : vector<1024x96xf32>
      %div3A_338 = arith.constant 1.000000e-01 : f32
      %div3A_339 = vector.broadcast %div3A_338 : f32 to vector<1024x96xf32>
      %div3A_340 = arith.divf %add3A_334, %div3A_339 : vector<1024x96xf32>
      %exp3A_341 = math.exp %div3A_340 : vector<1024x96xf32>
      %sub3A_342 = arith.constant 1.000000e+00 : f32
      %sub3A_343 = vector.broadcast %sub3A_342 : f32 to vector<1024x96xf32>
      %sub3A_344 = arith.subf %exp3A_341, %sub3A_343 : vector<1024x96xf32>
      %mul3A_345 = arith.constant 1.000000e-01 : f32
      %mul3A_346 = vector.broadcast %mul3A_345 : f32 to vector<1024x96xf32>
      %mul3A_347 = arith.mulf %mul3A_346, %sub3A_344 : vector<1024x96xf32>
      %select_n3A_348 = arith.select %gt3A_337, %add3A_334, %mul3A_347 : vector<1024x96xi1>, vector<1024x96xf32>
      %get3A_349 = arith.constant 0 : index
      %get3A_350 = arith.constant 2 : index
      %get3A_351 = arith.constant 0 : index
      %get3A_352 = arith.constant 0 : index
      %get3A_353 = vector.load %arg13[%get3A_349, %get3A_350, %get3A_351, %get3A_352] : memref<1x8x96x1xf32, #tpu.memory_space<vmem>>, vector<1x1x96x1xf32>
      %get3A_354 = vector.shape_cast %get3A_353 : vector<1x1x96x1xf32> to vector<96x1xf32>
      %reshape3A_355 = vector.shape_cast %get3A_354 : vector<96x1xf32> to vector<1x96xf32>
      %mul3A_356 = vector.broadcast %reshape3A_355 : vector<1x96xf32> to vector<1024x96xf32>
      %mul3A_357 = arith.mulf %select_n3A_348, %mul3A_356 : vector<1024x96xf32>
      %reduce_sum3A_358 = arith.constant dense<0.000000e+00> : vector<1024xf32>
      %reduce_sum3A_359 = vector.multi_reduction <add>, %mul3A_357, %reduce_sum3A_358 [1] : vector<1024x96xf32> to vector<1024xf32>
      %broadcast_in_dim3A_360 = vector.shape_cast %reduce_sum3A_359 : vector<1024xf32> to vector<1024x1xf32>
      %add3A_361 = arith.addf %add3A_255, %broadcast_in_dim3A_360 : vector<1024x1xf32>
      %slice3A_362 = vector.extract_strided_slice %select_n3A {offsets = [0, 480], sizes = [1024, 160], strides = [1, 1]} : vector<1024x1280xf32> to vector<1024x160xf32>
      %convert_element_type3A_363 = arith.truncf %slice3A_362 : vector<1024x160xf32> to vector<1024x160xbf16>
      %convert_element_type3A_364 = arith.extf %convert_element_type3A_363 : vector<1024x160xbf16> to vector<1024x160xf32>
      %sub3A_365 = arith.subf %slice3A_362, %convert_element_type3A_364 : vector<1024x160xf32>
      %convert_element_type3A_366 = arith.truncf %sub3A_365 : vector<1024x160xf32> to vector<1024x160xbf16>
      %get3A_367 = arith.constant 0 : index
      %get3A_368 = arith.constant 3 : index
      %get3A_369 = arith.constant 0 : index
      %get3A_370 = arith.constant 0 : index
      %get3A_371 = vector.load %arg7[%get3A_367, %get3A_368, %get3A_369, %get3A_370] : memref<1x8x160x128xbf16, #tpu.memory_space<vmem>>, vector<1x1x160x128xbf16>
      %get3A_372 = vector.shape_cast %get3A_371 : vector<1x1x160x128xbf16> to vector<160x128xbf16>
      %get3A_373 = arith.constant 0 : index
      %get3A_374 = arith.constant 3 : index
      %get3A_375 = arith.constant 0 : index
      %get3A_376 = arith.constant 0 : index
      %get3A_377 = vector.load %arg8[%get3A_373, %get3A_374, %get3A_375, %get3A_376] : memref<1x8x160x128xbf16, #tpu.memory_space<vmem>>, vector<1x1x160x128xbf16>
      %get3A_378 = vector.shape_cast %get3A_377 : vector<1x1x160x128xbf16> to vector<160x128xbf16>
      %dot_general3A_379 = arith.constant dense<0.000000e+00> : vector<1024x128xf32>
      %dot_general3A_380 = tpu.matmul %convert_element_type3A_363, %get3A_372, %dot_general3A_379 {dimension_numbers = #tpu.dot_dimension_numbers<[1], [0], [0], [1], [0, 0, 1, 1], [], []>, transpose_lhs_hint = false} : vector<1024x160xbf16>, vector<160x128xbf16>, vector<1024x128xf32> -> vector<1024x128xf32>
      %dot_general3A_381 = arith.constant dense<0.000000e+00> : vector<1024x128xf32>
      %dot_general3A_382 = tpu.matmul %convert_element_type3A_366, %get3A_372, %dot_general3A_381 {dimension_numbers = #tpu.dot_dimension_numbers<[1], [0], [0], [1], [0, 0, 1, 1], [], []>, transpose_lhs_hint = false} : vector<1024x160xbf16>, vector<160x128xbf16>, vector<1024x128xf32> -> vector<1024x128xf32>
      %add3A_383 = arith.addf %dot_general3A_380, %dot_general3A_382 : vector<1024x128xf32>
      %dot_general3A_384 = arith.constant dense<0.000000e+00> : vector<1024x128xf32>
      %dot_general3A_385 = tpu.matmul %convert_element_type3A_363, %get3A_378, %dot_general3A_384 {dimension_numbers = #tpu.dot_dimension_numbers<[1], [0], [0], [1], [0, 0, 1, 1], [], []>, transpose_lhs_hint = false} : vector<1024x160xbf16>, vector<160x128xbf16>, vector<1024x128xf32> -> vector<1024x128xf32>
      %add3A_386 = arith.addf %add3A_383, %dot_general3A_385 : vector<1024x128xf32>
      %get3A_387 = arith.constant 0 : index
      %get3A_388 = arith.constant 3 : index
      %get3A_389 = arith.constant 0 : index
      %get3A_390 = arith.constant 0 : index
      %get3A_391 = vector.load %arg9[%get3A_387, %get3A_388, %get3A_389, %get3A_390] : memref<1x8x1x128xf32, #tpu.memory_space<vmem>>, vector<1x1x1x128xf32>
      %get3A_392 = vector.shape_cast %get3A_391 : vector<1x1x1x128xf32> to vector<1x128xf32>
      %add3A_393 = vector.broadcast %get3A_392 : vector<1x128xf32> to vector<1024x128xf32>
      %add3A_394 = arith.addf %add3A_386, %add3A_393 : vector<1024x128xf32>
      %gt3A_395 = arith.constant 0.000000e+00 : f32
      %gt3A_396 = vector.broadcast %gt3A_395 : f32 to vector<1024x128xf32>
      %gt3A_397 = arith.cmpf ogt, %add3A_394, %gt3A_396 : vector<1024x128xf32>
      %div3A_398 = arith.constant 1.000000e-01 : f32
      %div3A_399 = vector.broadcast %div3A_398 : f32 to vector<1024x128xf32>
      %div3A_400 = arith.divf %add3A_394, %div3A_399 : vector<1024x128xf32>
      %exp3A_401 = math.exp %div3A_400 : vector<1024x128xf32>
      %sub3A_402 = arith.constant 1.000000e+00 : f32
      %sub3A_403 = vector.broadcast %sub3A_402 : f32 to vector<1024x128xf32>
      %sub3A_404 = arith.subf %exp3A_401, %sub3A_403 : vector<1024x128xf32>
      %mul3A_405 = arith.constant 1.000000e-01 : f32
      %mul3A_406 = vector.broadcast %mul3A_405 : f32 to vector<1024x128xf32>
      %mul3A_407 = arith.mulf %mul3A_406, %sub3A_404 : vector<1024x128xf32>
      %select_n3A_408 = arith.select %gt3A_397, %add3A_394, %mul3A_407 : vector<1024x128xi1>, vector<1024x128xf32>
      %convert_element_type3A_409 = arith.truncf %select_n3A_408 : vector<1024x128xf32> to vector<1024x128xbf16>
      %convert_element_type3A_410 = arith.extf %convert_element_type3A_409 : vector<1024x128xbf16> to vector<1024x128xf32>
      %sub3A_411 = arith.subf %select_n3A_408, %convert_element_type3A_410 : vector<1024x128xf32>
      %convert_element_type3A_412 = arith.truncf %sub3A_411 : vector<1024x128xf32> to vector<1024x128xbf16>
      %get3A_413 = arith.constant 0 : index
      %get3A_414 = arith.constant 3 : index
      %get3A_415 = arith.constant 0 : index
      %get3A_416 = arith.constant 0 : index
      %get3A_417 = vector.load %arg10[%get3A_413, %get3A_414, %get3A_415, %get3A_416] : memref<1x8x128x96xbf16, #tpu.memory_space<vmem>>, vector<1x1x128x96xbf16>
      %get3A_418 = vector.shape_cast %get3A_417 : vector<1x1x128x96xbf16> to vector<128x96xbf16>
      %get3A_419 = arith.constant 0 : index
      %get3A_420 = arith.constant 3 : index
      %get3A_421 = arith.constant 0 : index
      %get3A_422 = arith.constant 0 : index
      %get3A_423 = vector.load %arg11[%get3A_419, %get3A_420, %get3A_421, %get3A_422] : memref<1x8x128x96xbf16, #tpu.memory_space<vmem>>, vector<1x1x128x96xbf16>
      %get3A_424 = vector.shape_cast %get3A_423 : vector<1x1x128x96xbf16> to vector<128x96xbf16>
      %dot_general3A_425 = arith.constant dense<0.000000e+00> : vector<1024x96xf32>
      %dot_general3A_426 = tpu.matmul %convert_element_type3A_409, %get3A_418, %dot_general3A_425 {dimension_numbers = #tpu.dot_dimension_numbers<[1], [0], [0], [1], [0, 0, 1, 1], [], []>, transpose_lhs_hint = false} : vector<1024x128xbf16>, vector<128x96xbf16>, vector<1024x96xf32> -> vector<1024x96xf32>
      %dot_general3A_427 = arith.constant dense<0.000000e+00> : vector<1024x96xf32>
      %dot_general3A_428 = tpu.matmul %convert_element_type3A_412, %get3A_418, %dot_general3A_427 {dimension_numbers = #tpu.dot_dimension_numbers<[1], [0], [0], [1], [0, 0, 1, 1], [], []>, transpose_lhs_hint = false} : vector<1024x128xbf16>, vector<128x96xbf16>, vector<1024x96xf32> -> vector<1024x96xf32>
      %add3A_429 = arith.addf %dot_general3A_426, %dot_general3A_428 : vector<1024x96xf32>
      %dot_general3A_430 = arith.constant dense<0.000000e+00> : vector<1024x96xf32>
      %dot_general3A_431 = tpu.matmul %convert_element_type3A_409, %get3A_424, %dot_general3A_430 {dimension_numbers = #tpu.dot_dimension_numbers<[1], [0], [0], [1], [0, 0, 1, 1], [], []>, transpose_lhs_hint = false} : vector<1024x128xbf16>, vector<128x96xbf16>, vector<1024x96xf32> -> vector<1024x96xf32>
      %add3A_432 = arith.addf %add3A_429, %dot_general3A_431 : vector<1024x96xf32>
      %get3A_433 = arith.constant 0 : index
      %get3A_434 = arith.constant 3 : index
      %get3A_435 = arith.constant 0 : index
      %get3A_436 = arith.constant 0 : index
      %get3A_437 = vector.load %arg12[%get3A_433, %get3A_434, %get3A_435, %get3A_436] : memref<1x8x1x96xf32, #tpu.memory_space<vmem>>, vector<1x1x1x96xf32>
      %get3A_438 = vector.shape_cast %get3A_437 : vector<1x1x1x96xf32> to vector<1x96xf32>
      %add3A_439 = vector.broadcast %get3A_438 : vector<1x96xf32> to vector<1024x96xf32>
      %add3A_440 = arith.addf %add3A_432, %add3A_439 : vector<1024x96xf32>
      %gt3A_441 = arith.constant 0.000000e+00 : f32
      %gt3A_442 = vector.broadcast %gt3A_441 : f32 to vector<1024x96xf32>
      %gt3A_443 = arith.cmpf ogt, %add3A_440, %gt3A_442 : vector<1024x96xf32>
      %div3A_444 = arith.constant 1.000000e-01 : f32
      %div3A_445 = vector.broadcast %div3A_444 : f32 to vector<1024x96xf32>
      %div3A_446 = arith.divf %add3A_440, %div3A_445 : vector<1024x96xf32>
      %exp3A_447 = math.exp %div3A_446 : vector<1024x96xf32>
      %sub3A_448 = arith.constant 1.000000e+00 : f32
      %sub3A_449 = vector.broadcast %sub3A_448 : f32 to vector<1024x96xf32>
      %sub3A_450 = arith.subf %exp3A_447, %sub3A_449 : vector<1024x96xf32>
      %mul3A_451 = arith.constant 1.000000e-01 : f32
      %mul3A_452 = vector.broadcast %mul3A_451 : f32 to vector<1024x96xf32>
      %mul3A_453 = arith.mulf %mul3A_452, %sub3A_450 : vector<1024x96xf32>
      %select_n3A_454 = arith.select %gt3A_443, %add3A_440, %mul3A_453 : vector<1024x96xi1>, vector<1024x96xf32>
      %get3A_455 = arith.constant 0 : index
      %get3A_456 = arith.constant 3 : index
      %get3A_457 = arith.constant 0 : index
      %get3A_458 = arith.constant 0 : index
      %get3A_459 = vector.load %arg13[%get3A_455, %get3A_456, %get3A_457, %get3A_458] : memref<1x8x96x1xf32, #tpu.memory_space<vmem>>, vector<1x1x96x1xf32>
      %get3A_460 = vector.shape_cast %get3A_459 : vector<1x1x96x1xf32> to vector<96x1xf32>
      %reshape3A_461 = vector.shape_cast %get3A_460 : vector<96x1xf32> to vector<1x96xf32>
      %mul3A_462 = vector.broadcast %reshape3A_461 : vector<1x96xf32> to vector<1024x96xf32>
      %mul3A_463 = arith.mulf %select_n3A_454, %mul3A_462 : vector<1024x96xf32>
      %reduce_sum3A_464 = arith.constant dense<0.000000e+00> : vector<1024xf32>
      %reduce_sum3A_465 = vector.multi_reduction <add>, %mul3A_463, %reduce_sum3A_464 [1] : vector<1024x96xf32> to vector<1024xf32>
      %broadcast_in_dim3A_466 = vector.shape_cast %reduce_sum3A_465 : vector<1024xf32> to vector<1024x1xf32>
      %add3A_467 = arith.addf %add3A_361, %broadcast_in_dim3A_466 : vector<1024x1xf32>
      %slice3A_468 = vector.extract_strided_slice %select_n3A {offsets = [0, 640], sizes = [1024, 160], strides = [1, 1]} : vector<1024x1280xf32> to vector<1024x160xf32>
      %convert_element_type3A_469 = arith.truncf %slice3A_468 : vector<1024x160xf32> to vector<1024x160xbf16>
      %convert_element_type3A_470 = arith.extf %convert_element_type3A_469 : vector<1024x160xbf16> to vector<1024x160xf32>
      %sub3A_471 = arith.subf %slice3A_468, %convert_element_type3A_470 : vector<1024x160xf32>
      %convert_element_type3A_472 = arith.truncf %sub3A_471 : vector<1024x160xf32> to vector<1024x160xbf16>
      %get3A_473 = arith.constant 0 : index
      %get3A_474 = arith.constant 4 : index
      %get3A_475 = arith.constant 0 : index
      %get3A_476 = arith.constant 0 : index
      %get3A_477 = vector.load %arg7[%get3A_473, %get3A_474, %get3A_475, %get3A_476] : memref<1x8x160x128xbf16, #tpu.memory_space<vmem>>, vector<1x1x160x128xbf16>
      %get3A_478 = vector.shape_cast %get3A_477 : vector<1x1x160x128xbf16> to vector<160x128xbf16>
      %get3A_479 = arith.constant 0 : index
      %get3A_480 = arith.constant 4 : index
      %get3A_481 = arith.constant 0 : index
      %get3A_482 = arith.constant 0 : index
      %get3A_483 = vector.load %arg8[%get3A_479, %get3A_480, %get3A_481, %get3A_482] : memref<1x8x160x128xbf16, #tpu.memory_space<vmem>>, vector<1x1x160x128xbf16>
      %get3A_484 = vector.shape_cast %get3A_483 : vector<1x1x160x128xbf16> to vector<160x128xbf16>
      %dot_general3A_485 = arith.constant dense<0.000000e+00> : vector<1024x128xf32>
      %dot_general3A_486 = tpu.matmul %convert_element_type3A_469, %get3A_478, %dot_general3A_485 {dimension_numbers = #tpu.dot_dimension_numbers<[1], [0], [0], [1], [0, 0, 1, 1], [], []>, transpose_lhs_hint = false} : vector<1024x160xbf16>, vector<160x128xbf16>, vector<1024x128xf32> -> vector<1024x128xf32>
      %dot_general3A_487 = arith.constant dense<0.000000e+00> : vector<1024x128xf32>
      %dot_general3A_488 = tpu.matmul %convert_element_type3A_472, %get3A_478, %dot_general3A_487 {dimension_numbers = #tpu.dot_dimension_numbers<[1], [0], [0], [1], [0, 0, 1, 1], [], []>, transpose_lhs_hint = false} : vector<1024x160xbf16>, vector<160x128xbf16>, vector<1024x128xf32> -> vector<1024x128xf32>
      %add3A_489 = arith.addf %dot_general3A_486, %dot_general3A_488 : vector<1024x128xf32>
      %dot_general3A_490 = arith.constant dense<0.000000e+00> : vector<1024x128xf32>
      %dot_general3A_491 = tpu.matmul %convert_element_type3A_469, %get3A_484, %dot_general3A_490 {dimension_numbers = #tpu.dot_dimension_numbers<[1], [0], [0], [1], [0, 0, 1, 1], [], []>, transpose_lhs_hint = false} : vector<1024x160xbf16>, vector<160x128xbf16>, vector<1024x128xf32> -> vector<1024x128xf32>
      %add3A_492 = arith.addf %add3A_489, %dot_general3A_491 : vector<1024x128xf32>
      %get3A_493 = arith.constant 0 : index
      %get3A_494 = arith.constant 4 : index
      %get3A_495 = arith.constant 0 : index
      %get3A_496 = arith.constant 0 : index
      %get3A_497 = vector.load %arg9[%get3A_493, %get3A_494, %get3A_495, %get3A_496] : memref<1x8x1x128xf32, #tpu.memory_space<vmem>>, vector<1x1x1x128xf32>
      %get3A_498 = vector.shape_cast %get3A_497 : vector<1x1x1x128xf32> to vector<1x128xf32>
      %add3A_499 = vector.broadcast %get3A_498 : vector<1x128xf32> to vector<1024x128xf32>
      %add3A_500 = arith.addf %add3A_492, %add3A_499 : vector<1024x128xf32>
      %gt3A_501 = arith.constant 0.000000e+00 : f32
      %gt3A_502 = vector.broadcast %gt3A_501 : f32 to vector<1024x128xf32>
      %gt3A_503 = arith.cmpf ogt, %add3A_500, %gt3A_502 : vector<1024x128xf32>
      %div3A_504 = arith.constant 1.000000e-01 : f32
      %div3A_505 = vector.broadcast %div3A_504 : f32 to vector<1024x128xf32>
      %div3A_506 = arith.divf %add3A_500, %div3A_505 : vector<1024x128xf32>
      %exp3A_507 = math.exp %div3A_506 : vector<1024x128xf32>
      %sub3A_508 = arith.constant 1.000000e+00 : f32
      %sub3A_509 = vector.broadcast %sub3A_508 : f32 to vector<1024x128xf32>
      %sub3A_510 = arith.subf %exp3A_507, %sub3A_509 : vector<1024x128xf32>
      %mul3A_511 = arith.constant 1.000000e-01 : f32
      %mul3A_512 = vector.broadcast %mul3A_511 : f32 to vector<1024x128xf32>
      %mul3A_513 = arith.mulf %mul3A_512, %sub3A_510 : vector<1024x128xf32>
      %select_n3A_514 = arith.select %gt3A_503, %add3A_500, %mul3A_513 : vector<1024x128xi1>, vector<1024x128xf32>
      %convert_element_type3A_515 = arith.truncf %select_n3A_514 : vector<1024x128xf32> to vector<1024x128xbf16>
      %convert_element_type3A_516 = arith.extf %convert_element_type3A_515 : vector<1024x128xbf16> to vector<1024x128xf32>
      %sub3A_517 = arith.subf %select_n3A_514, %convert_element_type3A_516 : vector<1024x128xf32>
      %convert_element_type3A_518 = arith.truncf %sub3A_517 : vector<1024x128xf32> to vector<1024x128xbf16>
      %get3A_519 = arith.constant 0 : index
      %get3A_520 = arith.constant 4 : index
      %get3A_521 = arith.constant 0 : index
      %get3A_522 = arith.constant 0 : index
      %get3A_523 = vector.load %arg10[%get3A_519, %get3A_520, %get3A_521, %get3A_522] : memref<1x8x128x96xbf16, #tpu.memory_space<vmem>>, vector<1x1x128x96xbf16>
      %get3A_524 = vector.shape_cast %get3A_523 : vector<1x1x128x96xbf16> to vector<128x96xbf16>
      %get3A_525 = arith.constant 0 : index
      %get3A_526 = arith.constant 4 : index
      %get3A_527 = arith.constant 0 : index
      %get3A_528 = arith.constant 0 : index
      %get3A_529 = vector.load %arg11[%get3A_525, %get3A_526, %get3A_527, %get3A_528] : memref<1x8x128x96xbf16, #tpu.memory_space<vmem>>, vector<1x1x128x96xbf16>
      %get3A_530 = vector.shape_cast %get3A_529 : vector<1x1x128x96xbf16> to vector<128x96xbf16>
      %dot_general3A_531 = arith.constant dense<0.000000e+00> : vector<1024x96xf32>
      %dot_general3A_532 = tpu.matmul %convert_element_type3A_515, %get3A_524, %dot_general3A_531 {dimension_numbers = #tpu.dot_dimension_numbers<[1], [0], [0], [1], [0, 0, 1, 1], [], []>, transpose_lhs_hint = false} : vector<1024x128xbf16>, vector<128x96xbf16>, vector<1024x96xf32> -> vector<1024x96xf32>
      %dot_general3A_533 = arith.constant dense<0.000000e+00> : vector<1024x96xf32>
      %dot_general3A_534 = tpu.matmul %convert_element_type3A_518, %get3A_524, %dot_general3A_533 {dimension_numbers = #tpu.dot_dimension_numbers<[1], [0], [0], [1], [0, 0, 1, 1], [], []>, transpose_lhs_hint = false} : vector<1024x128xbf16>, vector<128x96xbf16>, vector<1024x96xf32> -> vector<1024x96xf32>
      %add3A_535 = arith.addf %dot_general3A_532, %dot_general3A_534 : vector<1024x96xf32>
      %dot_general3A_536 = arith.constant dense<0.000000e+00> : vector<1024x96xf32>
      %dot_general3A_537 = tpu.matmul %convert_element_type3A_515, %get3A_530, %dot_general3A_536 {dimension_numbers = #tpu.dot_dimension_numbers<[1], [0], [0], [1], [0, 0, 1, 1], [], []>, transpose_lhs_hint = false} : vector<1024x128xbf16>, vector<128x96xbf16>, vector<1024x96xf32> -> vector<1024x96xf32>
      %add3A_538 = arith.addf %add3A_535, %dot_general3A_537 : vector<1024x96xf32>
      %get3A_539 = arith.constant 0 : index
      %get3A_540 = arith.constant 4 : index
      %get3A_541 = arith.constant 0 : index
      %get3A_542 = arith.constant 0 : index
      %get3A_543 = vector.load %arg12[%get3A_539, %get3A_540, %get3A_541, %get3A_542] : memref<1x8x1x96xf32, #tpu.memory_space<vmem>>, vector<1x1x1x96xf32>
      %get3A_544 = vector.shape_cast %get3A_543 : vector<1x1x1x96xf32> to vector<1x96xf32>
      %add3A_545 = vector.broadcast %get3A_544 : vector<1x96xf32> to vector<1024x96xf32>
      %add3A_546 = arith.addf %add3A_538, %add3A_545 : vector<1024x96xf32>
      %gt3A_547 = arith.constant 0.000000e+00 : f32
      %gt3A_548 = vector.broadcast %gt3A_547 : f32 to vector<1024x96xf32>
      %gt3A_549 = arith.cmpf ogt, %add3A_546, %gt3A_548 : vector<1024x96xf32>
      %div3A_550 = arith.constant 1.000000e-01 : f32
      %div3A_551 = vector.broadcast %div3A_550 : f32 to vector<1024x96xf32>
      %div3A_552 = arith.divf %add3A_546, %div3A_551 : vector<1024x96xf32>
      %exp3A_553 = math.exp %div3A_552 : vector<1024x96xf32>
      %sub3A_554 = arith.constant 1.000000e+00 : f32
      %sub3A_555 = vector.broadcast %sub3A_554 : f32 to vector<1024x96xf32>
      %sub3A_556 = arith.subf %exp3A_553, %sub3A_555 : vector<1024x96xf32>
      %mul3A_557 = arith.constant 1.000000e-01 : f32
      %mul3A_558 = vector.broadcast %mul3A_557 : f32 to vector<1024x96xf32>
      %mul3A_559 = arith.mulf %mul3A_558, %sub3A_556 : vector<1024x96xf32>
      %select_n3A_560 = arith.select %gt3A_549, %add3A_546, %mul3A_559 : vector<1024x96xi1>, vector<1024x96xf32>
      %get3A_561 = arith.constant 0 : index
      %get3A_562 = arith.constant 4 : index
      %get3A_563 = arith.constant 0 : index
      %get3A_564 = arith.constant 0 : index
      %get3A_565 = vector.load %arg13[%get3A_561, %get3A_562, %get3A_563, %get3A_564] : memref<1x8x96x1xf32, #tpu.memory_space<vmem>>, vector<1x1x96x1xf32>
      %get3A_566 = vector.shape_cast %get3A_565 : vector<1x1x96x1xf32> to vector<96x1xf32>
      %reshape3A_567 = vector.shape_cast %get3A_566 : vector<96x1xf32> to vector<1x96xf32>
      %mul3A_568 = vector.broadcast %reshape3A_567 : vector<1x96xf32> to vector<1024x96xf32>
      %mul3A_569 = arith.mulf %select_n3A_560, %mul3A_568 : vector<1024x96xf32>
      %reduce_sum3A_570 = arith.constant dense<0.000000e+00> : vector<1024xf32>
      %reduce_sum3A_571 = vector.multi_reduction <add>, %mul3A_569, %reduce_sum3A_570 [1] : vector<1024x96xf32> to vector<1024xf32>
      %broadcast_in_dim3A_572 = vector.shape_cast %reduce_sum3A_571 : vector<1024xf32> to vector<1024x1xf32>
      %add3A_573 = arith.addf %add3A_467, %broadcast_in_dim3A_572 : vector<1024x1xf32>
      %slice3A_574 = vector.extract_strided_slice %select_n3A {offsets = [0, 800], sizes = [1024, 160], strides = [1, 1]} : vector<1024x1280xf32> to vector<1024x160xf32>
      %convert_element_type3A_575 = arith.truncf %slice3A_574 : vector<1024x160xf32> to vector<1024x160xbf16>
      %convert_element_type3A_576 = arith.extf %convert_element_type3A_575 : vector<1024x160xbf16> to vector<1024x160xf32>
      %sub3A_577 = arith.subf %slice3A_574, %convert_element_type3A_576 : vector<1024x160xf32>
      %convert_element_type3A_578 = arith.truncf %sub3A_577 : vector<1024x160xf32> to vector<1024x160xbf16>
      %get3A_579 = arith.constant 0 : index
      %get3A_580 = arith.constant 5 : index
      %get3A_581 = arith.constant 0 : index
      %get3A_582 = arith.constant 0 : index
      %get3A_583 = vector.load %arg7[%get3A_579, %get3A_580, %get3A_581, %get3A_582] : memref<1x8x160x128xbf16, #tpu.memory_space<vmem>>, vector<1x1x160x128xbf16>
      %get3A_584 = vector.shape_cast %get3A_583 : vector<1x1x160x128xbf16> to vector<160x128xbf16>
      %get3A_585 = arith.constant 0 : index
      %get3A_586 = arith.constant 5 : index
      %get3A_587 = arith.constant 0 : index
      %get3A_588 = arith.constant 0 : index
      %get3A_589 = vector.load %arg8[%get3A_585, %get3A_586, %get3A_587, %get3A_588] : memref<1x8x160x128xbf16, #tpu.memory_space<vmem>>, vector<1x1x160x128xbf16>
      %get3A_590 = vector.shape_cast %get3A_589 : vector<1x1x160x128xbf16> to vector<160x128xbf16>
      %dot_general3A_591 = arith.constant dense<0.000000e+00> : vector<1024x128xf32>
      %dot_general3A_592 = tpu.matmul %convert_element_type3A_575, %get3A_584, %dot_general3A_591 {dimension_numbers = #tpu.dot_dimension_numbers<[1], [0], [0], [1], [0, 0, 1, 1], [], []>, transpose_lhs_hint = false} : vector<1024x160xbf16>, vector<160x128xbf16>, vector<1024x128xf32> -> vector<1024x128xf32>
      %dot_general3A_593 = arith.constant dense<0.000000e+00> : vector<1024x128xf32>
      %dot_general3A_594 = tpu.matmul %convert_element_type3A_578, %get3A_584, %dot_general3A_593 {dimension_numbers = #tpu.dot_dimension_numbers<[1], [0], [0], [1], [0, 0, 1, 1], [], []>, transpose_lhs_hint = false} : vector<1024x160xbf16>, vector<160x128xbf16>, vector<1024x128xf32> -> vector<1024x128xf32>
      %add3A_595 = arith.addf %dot_general3A_592, %dot_general3A_594 : vector<1024x128xf32>
      %dot_general3A_596 = arith.constant dense<0.000000e+00> : vector<1024x128xf32>
      %dot_general3A_597 = tpu.matmul %convert_element_type3A_575, %get3A_590, %dot_general3A_596 {dimension_numbers = #tpu.dot_dimension_numbers<[1], [0], [0], [1], [0, 0, 1, 1], [], []>, transpose_lhs_hint = false} : vector<1024x160xbf16>, vector<160x128xbf16>, vector<1024x128xf32> -> vector<1024x128xf32>
      %add3A_598 = arith.addf %add3A_595, %dot_general3A_597 : vector<1024x128xf32>
      %get3A_599 = arith.constant 0 : index
      %get3A_600 = arith.constant 5 : index
      %get3A_601 = arith.constant 0 : index
      %get3A_602 = arith.constant 0 : index
      %get3A_603 = vector.load %arg9[%get3A_599, %get3A_600, %get3A_601, %get3A_602] : memref<1x8x1x128xf32, #tpu.memory_space<vmem>>, vector<1x1x1x128xf32>
      %get3A_604 = vector.shape_cast %get3A_603 : vector<1x1x1x128xf32> to vector<1x128xf32>
      %add3A_605 = vector.broadcast %get3A_604 : vector<1x128xf32> to vector<1024x128xf32>
      %add3A_606 = arith.addf %add3A_598, %add3A_605 : vector<1024x128xf32>
      %gt3A_607 = arith.constant 0.000000e+00 : f32
      %gt3A_608 = vector.broadcast %gt3A_607 : f32 to vector<1024x128xf32>
      %gt3A_609 = arith.cmpf ogt, %add3A_606, %gt3A_608 : vector<1024x128xf32>
      %div3A_610 = arith.constant 1.000000e-01 : f32
      %div3A_611 = vector.broadcast %div3A_610 : f32 to vector<1024x128xf32>
      %div3A_612 = arith.divf %add3A_606, %div3A_611 : vector<1024x128xf32>
      %exp3A_613 = math.exp %div3A_612 : vector<1024x128xf32>
      %sub3A_614 = arith.constant 1.000000e+00 : f32
      %sub3A_615 = vector.broadcast %sub3A_614 : f32 to vector<1024x128xf32>
      %sub3A_616 = arith.subf %exp3A_613, %sub3A_615 : vector<1024x128xf32>
      %mul3A_617 = arith.constant 1.000000e-01 : f32
      %mul3A_618 = vector.broadcast %mul3A_617 : f32 to vector<1024x128xf32>
      %mul3A_619 = arith.mulf %mul3A_618, %sub3A_616 : vector<1024x128xf32>
      %select_n3A_620 = arith.select %gt3A_609, %add3A_606, %mul3A_619 : vector<1024x128xi1>, vector<1024x128xf32>
      %convert_element_type3A_621 = arith.truncf %select_n3A_620 : vector<1024x128xf32> to vector<1024x128xbf16>
      %convert_element_type3A_622 = arith.extf %convert_element_type3A_621 : vector<1024x128xbf16> to vector<1024x128xf32>
      %sub3A_623 = arith.subf %select_n3A_620, %convert_element_type3A_622 : vector<1024x128xf32>
      %convert_element_type3A_624 = arith.truncf %sub3A_623 : vector<1024x128xf32> to vector<1024x128xbf16>
      %get3A_625 = arith.constant 0 : index
      %get3A_626 = arith.constant 5 : index
      %get3A_627 = arith.constant 0 : index
      %get3A_628 = arith.constant 0 : index
      %get3A_629 = vector.load %arg10[%get3A_625, %get3A_626, %get3A_627, %get3A_628] : memref<1x8x128x96xbf16, #tpu.memory_space<vmem>>, vector<1x1x128x96xbf16>
      %get3A_630 = vector.shape_cast %get3A_629 : vector<1x1x128x96xbf16> to vector<128x96xbf16>
      %get3A_631 = arith.constant 0 : index
      %get3A_632 = arith.constant 5 : index
      %get3A_633 = arith.constant 0 : index
      %get3A_634 = arith.constant 0 : index
      %get3A_635 = vector.load %arg11[%get3A_631, %get3A_632, %get3A_633, %get3A_634] : memref<1x8x128x96xbf16, #tpu.memory_space<vmem>>, vector<1x1x128x96xbf16>
      %get3A_636 = vector.shape_cast %get3A_635 : vector<1x1x128x96xbf16> to vector<128x96xbf16>
      %dot_general3A_637 = arith.constant dense<0.000000e+00> : vector<1024x96xf32>
      %dot_general3A_638 = tpu.matmul %convert_element_type3A_621, %get3A_630, %dot_general3A_637 {dimension_numbers = #tpu.dot_dimension_numbers<[1], [0], [0], [1], [0, 0, 1, 1], [], []>, transpose_lhs_hint = false} : vector<1024x128xbf16>, vector<128x96xbf16>, vector<1024x96xf32> -> vector<1024x96xf32>
      %dot_general3A_639 = arith.constant dense<0.000000e+00> : vector<1024x96xf32>
      %dot_general3A_640 = tpu.matmul %convert_element_type3A_624, %get3A_630, %dot_general3A_639 {dimension_numbers = #tpu.dot_dimension_numbers<[1], [0], [0], [1], [0, 0, 1, 1], [], []>, transpose_lhs_hint = false} : vector<1024x128xbf16>, vector<128x96xbf16>, vector<1024x96xf32> -> vector<1024x96xf32>
      %add3A_641 = arith.addf %dot_general3A_638, %dot_general3A_640 : vector<1024x96xf32>
      %dot_general3A_642 = arith.constant dense<0.000000e+00> : vector<1024x96xf32>
      %dot_general3A_643 = tpu.matmul %convert_element_type3A_621, %get3A_636, %dot_general3A_642 {dimension_numbers = #tpu.dot_dimension_numbers<[1], [0], [0], [1], [0, 0, 1, 1], [], []>, transpose_lhs_hint = false} : vector<1024x128xbf16>, vector<128x96xbf16>, vector<1024x96xf32> -> vector<1024x96xf32>
      %add3A_644 = arith.addf %add3A_641, %dot_general3A_643 : vector<1024x96xf32>
      %get3A_645 = arith.constant 0 : index
      %get3A_646 = arith.constant 5 : index
      %get3A_647 = arith.constant 0 : index
      %get3A_648 = arith.constant 0 : index
      %get3A_649 = vector.load %arg12[%get3A_645, %get3A_646, %get3A_647, %get3A_648] : memref<1x8x1x96xf32, #tpu.memory_space<vmem>>, vector<1x1x1x96xf32>
      %get3A_650 = vector.shape_cast %get3A_649 : vector<1x1x1x96xf32> to vector<1x96xf32>
      %add3A_651 = vector.broadcast %get3A_650 : vector<1x96xf32> to vector<1024x96xf32>
      %add3A_652 = arith.addf %add3A_644, %add3A_651 : vector<1024x96xf32>
      %gt3A_653 = arith.constant 0.000000e+00 : f32
      %gt3A_654 = vector.broadcast %gt3A_653 : f32 to vector<1024x96xf32>
      %gt3A_655 = arith.cmpf ogt, %add3A_652, %gt3A_654 : vector<1024x96xf32>
      %div3A_656 = arith.constant 1.000000e-01 : f32
      %div3A_657 = vector.broadcast %div3A_656 : f32 to vector<1024x96xf32>
      %div3A_658 = arith.divf %add3A_652, %div3A_657 : vector<1024x96xf32>
      %exp3A_659 = math.exp %div3A_658 : vector<1024x96xf32>
      %sub3A_660 = arith.constant 1.000000e+00 : f32
      %sub3A_661 = vector.broadcast %sub3A_660 : f32 to vector<1024x96xf32>
      %sub3A_662 = arith.subf %exp3A_659, %sub3A_661 : vector<1024x96xf32>
      %mul3A_663 = arith.constant 1.000000e-01 : f32
      %mul3A_664 = vector.broadcast %mul3A_663 : f32 to vector<1024x96xf32>
      %mul3A_665 = arith.mulf %mul3A_664, %sub3A_662 : vector<1024x96xf32>
      %select_n3A_666 = arith.select %gt3A_655, %add3A_652, %mul3A_665 : vector<1024x96xi1>, vector<1024x96xf32>
      %get3A_667 = arith.constant 0 : index
      %get3A_668 = arith.constant 5 : index
      %get3A_669 = arith.constant 0 : index
      %get3A_670 = arith.constant 0 : index
      %get3A_671 = vector.load %arg13[%get3A_667, %get3A_668, %get3A_669, %get3A_670] : memref<1x8x96x1xf32, #tpu.memory_space<vmem>>, vector<1x1x96x1xf32>
      %get3A_672 = vector.shape_cast %get3A_671 : vector<1x1x96x1xf32> to vector<96x1xf32>
      %reshape3A_673 = vector.shape_cast %get3A_672 : vector<96x1xf32> to vector<1x96xf32>
      %mul3A_674 = vector.broadcast %reshape3A_673 : vector<1x96xf32> to vector<1024x96xf32>
      %mul3A_675 = arith.mulf %select_n3A_666, %mul3A_674 : vector<1024x96xf32>
      %reduce_sum3A_676 = arith.constant dense<0.000000e+00> : vector<1024xf32>
      %reduce_sum3A_677 = vector.multi_reduction <add>, %mul3A_675, %reduce_sum3A_676 [1] : vector<1024x96xf32> to vector<1024xf32>
      %broadcast_in_dim3A_678 = vector.shape_cast %reduce_sum3A_677 : vector<1024xf32> to vector<1024x1xf32>
      %add3A_679 = arith.addf %add3A_573, %broadcast_in_dim3A_678 : vector<1024x1xf32>
      %slice3A_680 = vector.extract_strided_slice %select_n3A {offsets = [0, 960], sizes = [1024, 160], strides = [1, 1]} : vector<1024x1280xf32> to vector<1024x160xf32>
      %convert_element_type3A_681 = arith.truncf %slice3A_680 : vector<1024x160xf32> to vector<1024x160xbf16>
      %convert_element_type3A_682 = arith.extf %convert_element_type3A_681 : vector<1024x160xbf16> to vector<1024x160xf32>
      %sub3A_683 = arith.subf %slice3A_680, %convert_element_type3A_682 : vector<1024x160xf32>
      %convert_element_type3A_684 = arith.truncf %sub3A_683 : vector<1024x160xf32> to vector<1024x160xbf16>
      %get3A_685 = arith.constant 0 : index
      %get3A_686 = arith.constant 6 : index
      %get3A_687 = arith.constant 0 : index
      %get3A_688 = arith.constant 0 : index
      %get3A_689 = vector.load %arg7[%get3A_685, %get3A_686, %get3A_687, %get3A_688] : memref<1x8x160x128xbf16, #tpu.memory_space<vmem>>, vector<1x1x160x128xbf16>
      %get3A_690 = vector.shape_cast %get3A_689 : vector<1x1x160x128xbf16> to vector<160x128xbf16>
      %get3A_691 = arith.constant 0 : index
      %get3A_692 = arith.constant 6 : index
      %get3A_693 = arith.constant 0 : index
      %get3A_694 = arith.constant 0 : index
      %get3A_695 = vector.load %arg8[%get3A_691, %get3A_692, %get3A_693, %get3A_694] : memref<1x8x160x128xbf16, #tpu.memory_space<vmem>>, vector<1x1x160x128xbf16>
      %get3A_696 = vector.shape_cast %get3A_695 : vector<1x1x160x128xbf16> to vector<160x128xbf16>
      %dot_general3A_697 = arith.constant dense<0.000000e+00> : vector<1024x128xf32>
      %dot_general3A_698 = tpu.matmul %convert_element_type3A_681, %get3A_690, %dot_general3A_697 {dimension_numbers = #tpu.dot_dimension_numbers<[1], [0], [0], [1], [0, 0, 1, 1], [], []>, transpose_lhs_hint = false} : vector<1024x160xbf16>, vector<160x128xbf16>, vector<1024x128xf32> -> vector<1024x128xf32>
      %dot_general3A_699 = arith.constant dense<0.000000e+00> : vector<1024x128xf32>
      %dot_general3A_700 = tpu.matmul %convert_element_type3A_684, %get3A_690, %dot_general3A_699 {dimension_numbers = #tpu.dot_dimension_numbers<[1], [0], [0], [1], [0, 0, 1, 1], [], []>, transpose_lhs_hint = false} : vector<1024x160xbf16>, vector<160x128xbf16>, vector<1024x128xf32> -> vector<1024x128xf32>
      %add3A_701 = arith.addf %dot_general3A_698, %dot_general3A_700 : vector<1024x128xf32>
      %dot_general3A_702 = arith.constant dense<0.000000e+00> : vector<1024x128xf32>
      %dot_general3A_703 = tpu.matmul %convert_element_type3A_681, %get3A_696, %dot_general3A_702 {dimension_numbers = #tpu.dot_dimension_numbers<[1], [0], [0], [1], [0, 0, 1, 1], [], []>, transpose_lhs_hint = false} : vector<1024x160xbf16>, vector<160x128xbf16>, vector<1024x128xf32> -> vector<1024x128xf32>
      %add3A_704 = arith.addf %add3A_701, %dot_general3A_703 : vector<1024x128xf32>
      %get3A_705 = arith.constant 0 : index
      %get3A_706 = arith.constant 6 : index
      %get3A_707 = arith.constant 0 : index
      %get3A_708 = arith.constant 0 : index
      %get3A_709 = vector.load %arg9[%get3A_705, %get3A_706, %get3A_707, %get3A_708] : memref<1x8x1x128xf32, #tpu.memory_space<vmem>>, vector<1x1x1x128xf32>
      %get3A_710 = vector.shape_cast %get3A_709 : vector<1x1x1x128xf32> to vector<1x128xf32>
      %add3A_711 = vector.broadcast %get3A_710 : vector<1x128xf32> to vector<1024x128xf32>
      %add3A_712 = arith.addf %add3A_704, %add3A_711 : vector<1024x128xf32>
      %gt3A_713 = arith.constant 0.000000e+00 : f32
      %gt3A_714 = vector.broadcast %gt3A_713 : f32 to vector<1024x128xf32>
      %gt3A_715 = arith.cmpf ogt, %add3A_712, %gt3A_714 : vector<1024x128xf32>
      %div3A_716 = arith.constant 1.000000e-01 : f32
      %div3A_717 = vector.broadcast %div3A_716 : f32 to vector<1024x128xf32>
      %div3A_718 = arith.divf %add3A_712, %div3A_717 : vector<1024x128xf32>
      %exp3A_719 = math.exp %div3A_718 : vector<1024x128xf32>
      %sub3A_720 = arith.constant 1.000000e+00 : f32
      %sub3A_721 = vector.broadcast %sub3A_720 : f32 to vector<1024x128xf32>
      %sub3A_722 = arith.subf %exp3A_719, %sub3A_721 : vector<1024x128xf32>
      %mul3A_723 = arith.constant 1.000000e-01 : f32
      %mul3A_724 = vector.broadcast %mul3A_723 : f32 to vector<1024x128xf32>
      %mul3A_725 = arith.mulf %mul3A_724, %sub3A_722 : vector<1024x128xf32>
      %select_n3A_726 = arith.select %gt3A_715, %add3A_712, %mul3A_725 : vector<1024x128xi1>, vector<1024x128xf32>
      %convert_element_type3A_727 = arith.truncf %select_n3A_726 : vector<1024x128xf32> to vector<1024x128xbf16>
      %convert_element_type3A_728 = arith.extf %convert_element_type3A_727 : vector<1024x128xbf16> to vector<1024x128xf32>
      %sub3A_729 = arith.subf %select_n3A_726, %convert_element_type3A_728 : vector<1024x128xf32>
      %convert_element_type3A_730 = arith.truncf %sub3A_729 : vector<1024x128xf32> to vector<1024x128xbf16>
      %get3A_731 = arith.constant 0 : index
      %get3A_732 = arith.constant 6 : index
      %get3A_733 = arith.constant 0 : index
      %get3A_734 = arith.constant 0 : index
      %get3A_735 = vector.load %arg10[%get3A_731, %get3A_732, %get3A_733, %get3A_734] : memref<1x8x128x96xbf16, #tpu.memory_space<vmem>>, vector<1x1x128x96xbf16>
      %get3A_736 = vector.shape_cast %get3A_735 : vector<1x1x128x96xbf16> to vector<128x96xbf16>
      %get3A_737 = arith.constant 0 : index
      %get3A_738 = arith.constant 6 : index
      %get3A_739 = arith.constant 0 : index
      %get3A_740 = arith.constant 0 : index
      %get3A_741 = vector.load %arg11[%get3A_737, %get3A_738, %get3A_739, %get3A_740] : memref<1x8x128x96xbf16, #tpu.memory_space<vmem>>, vector<1x1x128x96xbf16>
      %get3A_742 = vector.shape_cast %get3A_741 : vector<1x1x128x96xbf16> to vector<128x96xbf16>
      %dot_general3A_743 = arith.constant dense<0.000000e+00> : vector<1024x96xf32>
      %dot_general3A_744 = tpu.matmul %convert_element_type3A_727, %get3A_736, %dot_general3A_743 {dimension_numbers = #tpu.dot_dimension_numbers<[1], [0], [0], [1], [0, 0, 1, 1], [], []>, transpose_lhs_hint = false} : vector<1024x128xbf16>, vector<128x96xbf16>, vector<1024x96xf32> -> vector<1024x96xf32>
      %dot_general3A_745 = arith.constant dense<0.000000e+00> : vector<1024x96xf32>
      %dot_general3A_746 = tpu.matmul %convert_element_type3A_730, %get3A_736, %dot_general3A_745 {dimension_numbers = #tpu.dot_dimension_numbers<[1], [0], [0], [1], [0, 0, 1, 1], [], []>, transpose_lhs_hint = false} : vector<1024x128xbf16>, vector<128x96xbf16>, vector<1024x96xf32> -> vector<1024x96xf32>
      %add3A_747 = arith.addf %dot_general3A_744, %dot_general3A_746 : vector<1024x96xf32>
      %dot_general3A_748 = arith.constant dense<0.000000e+00> : vector<1024x96xf32>
      %dot_general3A_749 = tpu.matmul %convert_element_type3A_727, %get3A_742, %dot_general3A_748 {dimension_numbers = #tpu.dot_dimension_numbers<[1], [0], [0], [1], [0, 0, 1, 1], [], []>, transpose_lhs_hint = false} : vector<1024x128xbf16>, vector<128x96xbf16>, vector<1024x96xf32> -> vector<1024x96xf32>
      %add3A_750 = arith.addf %add3A_747, %dot_general3A_749 : vector<1024x96xf32>
      %get3A_751 = arith.constant 0 : index
      %get3A_752 = arith.constant 6 : index
      %get3A_753 = arith.constant 0 : index
      %get3A_754 = arith.constant 0 : index
      %get3A_755 = vector.load %arg12[%get3A_751, %get3A_752, %get3A_753, %get3A_754] : memref<1x8x1x96xf32, #tpu.memory_space<vmem>>, vector<1x1x1x96xf32>
      %get3A_756 = vector.shape_cast %get3A_755 : vector<1x1x1x96xf32> to vector<1x96xf32>
      %add3A_757 = vector.broadcast %get3A_756 : vector<1x96xf32> to vector<1024x96xf32>
      %add3A_758 = arith.addf %add3A_750, %add3A_757 : vector<1024x96xf32>
      %gt3A_759 = arith.constant 0.000000e+00 : f32
      %gt3A_760 = vector.broadcast %gt3A_759 : f32 to vector<1024x96xf32>
      %gt3A_761 = arith.cmpf ogt, %add3A_758, %gt3A_760 : vector<1024x96xf32>
      %div3A_762 = arith.constant 1.000000e-01 : f32
      %div3A_763 = vector.broadcast %div3A_762 : f32 to vector<1024x96xf32>
      %div3A_764 = arith.divf %add3A_758, %div3A_763 : vector<1024x96xf32>
      %exp3A_765 = math.exp %div3A_764 : vector<1024x96xf32>
      %sub3A_766 = arith.constant 1.000000e+00 : f32
      %sub3A_767 = vector.broadcast %sub3A_766 : f32 to vector<1024x96xf32>
      %sub3A_768 = arith.subf %exp3A_765, %sub3A_767 : vector<1024x96xf32>
      %mul3A_769 = arith.constant 1.000000e-01 : f32
      %mul3A_770 = vector.broadcast %mul3A_769 : f32 to vector<1024x96xf32>
      %mul3A_771 = arith.mulf %mul3A_770, %sub3A_768 : vector<1024x96xf32>
      %select_n3A_772 = arith.select %gt3A_761, %add3A_758, %mul3A_771 : vector<1024x96xi1>, vector<1024x96xf32>
      %get3A_773 = arith.constant 0 : index
      %get3A_774 = arith.constant 6 : index
      %get3A_775 = arith.constant 0 : index
      %get3A_776 = arith.constant 0 : index
      %get3A_777 = vector.load %arg13[%get3A_773, %get3A_774, %get3A_775, %get3A_776] : memref<1x8x96x1xf32, #tpu.memory_space<vmem>>, vector<1x1x96x1xf32>
      %get3A_778 = vector.shape_cast %get3A_777 : vector<1x1x96x1xf32> to vector<96x1xf32>
      %reshape3A_779 = vector.shape_cast %get3A_778 : vector<96x1xf32> to vector<1x96xf32>
      %mul3A_780 = vector.broadcast %reshape3A_779 : vector<1x96xf32> to vector<1024x96xf32>
      %mul3A_781 = arith.mulf %select_n3A_772, %mul3A_780 : vector<1024x96xf32>
      %reduce_sum3A_782 = arith.constant dense<0.000000e+00> : vector<1024xf32>
      %reduce_sum3A_783 = vector.multi_reduction <add>, %mul3A_781, %reduce_sum3A_782 [1] : vector<1024x96xf32> to vector<1024xf32>
      %broadcast_in_dim3A_784 = vector.shape_cast %reduce_sum3A_783 : vector<1024xf32> to vector<1024x1xf32>
      %add3A_785 = arith.addf %add3A_679, %broadcast_in_dim3A_784 : vector<1024x1xf32>
      %slice3A_786 = vector.extract_strided_slice %select_n3A {offsets = [0, 1120], sizes = [1024, 160], strides = [1, 1]} : vector<1024x1280xf32> to vector<1024x160xf32>
      %convert_element_type3A_787 = arith.truncf %slice3A_786 : vector<1024x160xf32> to vector<1024x160xbf16>
      %convert_element_type3A_788 = arith.extf %convert_element_type3A_787 : vector<1024x160xbf16> to vector<1024x160xf32>
      %sub3A_789 = arith.subf %slice3A_786, %convert_element_type3A_788 : vector<1024x160xf32>
      %convert_element_type3A_790 = arith.truncf %sub3A_789 : vector<1024x160xf32> to vector<1024x160xbf16>
      %get3A_791 = arith.constant 0 : index
      %get3A_792 = arith.constant 7 : index
      %get3A_793 = arith.constant 0 : index
      %get3A_794 = arith.constant 0 : index
      %get3A_795 = vector.load %arg7[%get3A_791, %get3A_792, %get3A_793, %get3A_794] : memref<1x8x160x128xbf16, #tpu.memory_space<vmem>>, vector<1x1x160x128xbf16>
      %get3A_796 = vector.shape_cast %get3A_795 : vector<1x1x160x128xbf16> to vector<160x128xbf16>
      %get3A_797 = arith.constant 0 : index
      %get3A_798 = arith.constant 7 : index
      %get3A_799 = arith.constant 0 : index
      %get3A_800 = arith.constant 0 : index
      %get3A_801 = vector.load %arg8[%get3A_797, %get3A_798, %get3A_799, %get3A_800] : memref<1x8x160x128xbf16, #tpu.memory_space<vmem>>, vector<1x1x160x128xbf16>
      %get3A_802 = vector.shape_cast %get3A_801 : vector<1x1x160x128xbf16> to vector<160x128xbf16>
      %dot_general3A_803 = arith.constant dense<0.000000e+00> : vector<1024x128xf32>
      %dot_general3A_804 = tpu.matmul %convert_element_type3A_787, %get3A_796, %dot_general3A_803 {dimension_numbers = #tpu.dot_dimension_numbers<[1], [0], [0], [1], [0, 0, 1, 1], [], []>, transpose_lhs_hint = false} : vector<1024x160xbf16>, vector<160x128xbf16>, vector<1024x128xf32> -> vector<1024x128xf32>
      %dot_general3A_805 = arith.constant dense<0.000000e+00> : vector<1024x128xf32>
      %dot_general3A_806 = tpu.matmul %convert_element_type3A_790, %get3A_796, %dot_general3A_805 {dimension_numbers = #tpu.dot_dimension_numbers<[1], [0], [0], [1], [0, 0, 1, 1], [], []>, transpose_lhs_hint = false} : vector<1024x160xbf16>, vector<160x128xbf16>, vector<1024x128xf32> -> vector<1024x128xf32>
      %add3A_807 = arith.addf %dot_general3A_804, %dot_general3A_806 : vector<1024x128xf32>
      %dot_general3A_808 = arith.constant dense<0.000000e+00> : vector<1024x128xf32>
      %dot_general3A_809 = tpu.matmul %convert_element_type3A_787, %get3A_802, %dot_general3A_808 {dimension_numbers = #tpu.dot_dimension_numbers<[1], [0], [0], [1], [0, 0, 1, 1], [], []>, transpose_lhs_hint = false} : vector<1024x160xbf16>, vector<160x128xbf16>, vector<1024x128xf32> -> vector<1024x128xf32>
      %add3A_810 = arith.addf %add3A_807, %dot_general3A_809 : vector<1024x128xf32>
      %get3A_811 = arith.constant 0 : index
      %get3A_812 = arith.constant 7 : index
      %get3A_813 = arith.constant 0 : index
      %get3A_814 = arith.constant 0 : index
      %get3A_815 = vector.load %arg9[%get3A_811, %get3A_812, %get3A_813, %get3A_814] : memref<1x8x1x128xf32, #tpu.memory_space<vmem>>, vector<1x1x1x128xf32>
      %get3A_816 = vector.shape_cast %get3A_815 : vector<1x1x1x128xf32> to vector<1x128xf32>
      %add3A_817 = vector.broadcast %get3A_816 : vector<1x128xf32> to vector<1024x128xf32>
      %add3A_818 = arith.addf %add3A_810, %add3A_817 : vector<1024x128xf32>
      %gt3A_819 = arith.constant 0.000000e+00 : f32
      %gt3A_820 = vector.broadcast %gt3A_819 : f32 to vector<1024x128xf32>
      %gt3A_821 = arith.cmpf ogt, %add3A_818, %gt3A_820 : vector<1024x128xf32>
      %div3A_822 = arith.constant 1.000000e-01 : f32
      %div3A_823 = vector.broadcast %div3A_822 : f32 to vector<1024x128xf32>
      %div3A_824 = arith.divf %add3A_818, %div3A_823 : vector<1024x128xf32>
      %exp3A_825 = math.exp %div3A_824 : vector<1024x128xf32>
      %sub3A_826 = arith.constant 1.000000e+00 : f32
      %sub3A_827 = vector.broadcast %sub3A_826 : f32 to vector<1024x128xf32>
      %sub3A_828 = arith.subf %exp3A_825, %sub3A_827 : vector<1024x128xf32>
      %mul3A_829 = arith.constant 1.000000e-01 : f32
      %mul3A_830 = vector.broadcast %mul3A_829 : f32 to vector<1024x128xf32>
      %mul3A_831 = arith.mulf %mul3A_830, %sub3A_828 : vector<1024x128xf32>
      %select_n3A_832 = arith.select %gt3A_821, %add3A_818, %mul3A_831 : vector<1024x128xi1>, vector<1024x128xf32>
      %convert_element_type3A_833 = arith.truncf %select_n3A_832 : vector<1024x128xf32> to vector<1024x128xbf16>
      %convert_element_type3A_834 = arith.extf %convert_element_type3A_833 : vector<1024x128xbf16> to vector<1024x128xf32>
      %sub3A_835 = arith.subf %select_n3A_832, %convert_element_type3A_834 : vector<1024x128xf32>
      %convert_element_type3A_836 = arith.truncf %sub3A_835 : vector<1024x128xf32> to vector<1024x128xbf16>
      %get3A_837 = arith.constant 0 : index
      %get3A_838 = arith.constant 7 : index
      %get3A_839 = arith.constant 0 : index
      %get3A_840 = arith.constant 0 : index
      %get3A_841 = vector.load %arg10[%get3A_837, %get3A_838, %get3A_839, %get3A_840] : memref<1x8x128x96xbf16, #tpu.memory_space<vmem>>, vector<1x1x128x96xbf16>
      %get3A_842 = vector.shape_cast %get3A_841 : vector<1x1x128x96xbf16> to vector<128x96xbf16>
      %get3A_843 = arith.constant 0 : index
      %get3A_844 = arith.constant 7 : index
      %get3A_845 = arith.constant 0 : index
      %get3A_846 = arith.constant 0 : index
      %get3A_847 = vector.load %arg11[%get3A_843, %get3A_844, %get3A_845, %get3A_846] : memref<1x8x128x96xbf16, #tpu.memory_space<vmem>>, vector<1x1x128x96xbf16>
      %get3A_848 = vector.shape_cast %get3A_847 : vector<1x1x128x96xbf16> to vector<128x96xbf16>
      %dot_general3A_849 = arith.constant dense<0.000000e+00> : vector<1024x96xf32>
      %dot_general3A_850 = tpu.matmul %convert_element_type3A_833, %get3A_842, %dot_general3A_849 {dimension_numbers = #tpu.dot_dimension_numbers<[1], [0], [0], [1], [0, 0, 1, 1], [], []>, transpose_lhs_hint = false} : vector<1024x128xbf16>, vector<128x96xbf16>, vector<1024x96xf32> -> vector<1024x96xf32>
      %dot_general3A_851 = arith.constant dense<0.000000e+00> : vector<1024x96xf32>
      %dot_general3A_852 = tpu.matmul %convert_element_type3A_836, %get3A_842, %dot_general3A_851 {dimension_numbers = #tpu.dot_dimension_numbers<[1], [0], [0], [1], [0, 0, 1, 1], [], []>, transpose_lhs_hint = false} : vector<1024x128xbf16>, vector<128x96xbf16>, vector<1024x96xf32> -> vector<1024x96xf32>
      %add3A_853 = arith.addf %dot_general3A_850, %dot_general3A_852 : vector<1024x96xf32>
      %dot_general3A_854 = arith.constant dense<0.000000e+00> : vector<1024x96xf32>
      %dot_general3A_855 = tpu.matmul %convert_element_type3A_833, %get3A_848, %dot_general3A_854 {dimension_numbers = #tpu.dot_dimension_numbers<[1], [0], [0], [1], [0, 0, 1, 1], [], []>, transpose_lhs_hint = false} : vector<1024x128xbf16>, vector<128x96xbf16>, vector<1024x96xf32> -> vector<1024x96xf32>
      %add3A_856 = arith.addf %add3A_853, %dot_general3A_855 : vector<1024x96xf32>
      %get3A_857 = arith.constant 0 : index
      %get3A_858 = arith.constant 7 : index
      %get3A_859 = arith.constant 0 : index
      %get3A_860 = arith.constant 0 : index
      %get3A_861 = vector.load %arg12[%get3A_857, %get3A_858, %get3A_859, %get3A_860] : memref<1x8x1x96xf32, #tpu.memory_space<vmem>>, vector<1x1x1x96xf32>
      %get3A_862 = vector.shape_cast %get3A_861 : vector<1x1x1x96xf32> to vector<1x96xf32>
      %add3A_863 = vector.broadcast %get3A_862 : vector<1x96xf32> to vector<1024x96xf32>
      %add3A_864 = arith.addf %add3A_856, %add3A_863 : vector<1024x96xf32>
      %gt3A_865 = arith.constant 0.000000e+00 : f32
      %gt3A_866 = vector.broadcast %gt3A_865 : f32 to vector<1024x96xf32>
      %gt3A_867 = arith.cmpf ogt, %add3A_864, %gt3A_866 : vector<1024x96xf32>
      %div3A_868 = arith.constant 1.000000e-01 : f32
      %div3A_869 = vector.broadcast %div3A_868 : f32 to vector<1024x96xf32>
      %div3A_870 = arith.divf %add3A_864, %div3A_869 : vector<1024x96xf32>
      %exp3A_871 = math.exp %div3A_870 : vector<1024x96xf32>
      %sub3A_872 = arith.constant 1.000000e+00 : f32
      %sub3A_873 = vector.broadcast %sub3A_872 : f32 to vector<1024x96xf32>
      %sub3A_874 = arith.subf %exp3A_871, %sub3A_873 : vector<1024x96xf32>
      %mul3A_875 = arith.constant 1.000000e-01 : f32
      %mul3A_876 = vector.broadcast %mul3A_875 : f32 to vector<1024x96xf32>
      %mul3A_877 = arith.mulf %mul3A_876, %sub3A_874 : vector<1024x96xf32>
      %select_n3A_878 = arith.select %gt3A_867, %add3A_864, %mul3A_877 : vector<1024x96xi1>, vector<1024x96xf32>
      %get3A_879 = arith.constant 0 : index
      %get3A_880 = arith.constant 7 : index
      %get3A_881 = arith.constant 0 : index
      %get3A_882 = arith.constant 0 : index
      %get3A_883 = vector.load %arg13[%get3A_879, %get3A_880, %get3A_881, %get3A_882] : memref<1x8x96x1xf32, #tpu.memory_space<vmem>>, vector<1x1x96x1xf32>
      %get3A_884 = vector.shape_cast %get3A_883 : vector<1x1x96x1xf32> to vector<96x1xf32>
      %reshape3A_885 = vector.shape_cast %get3A_884 : vector<96x1xf32> to vector<1x96xf32>
      %mul3A_886 = vector.broadcast %reshape3A_885 : vector<1x96xf32> to vector<1024x96xf32>
      %mul3A_887 = arith.mulf %select_n3A_878, %mul3A_886 : vector<1024x96xf32>
      %reduce_sum3A_888 = arith.constant dense<0.000000e+00> : vector<1024xf32>
      %reduce_sum3A_889 = vector.multi_reduction <add>, %mul3A_887, %reduce_sum3A_888 [1] : vector<1024x96xf32> to vector<1024xf32>
      %broadcast_in_dim3A_890 = vector.shape_cast %reduce_sum3A_889 : vector<1024xf32> to vector<1024x1xf32>
      %add3A_891 = arith.addf %add3A_785, %broadcast_in_dim3A_890 : vector<1024x1xf32>
      %get3A_892 = arith.constant 0 : index
      %get3A_893 = arith.constant 0 : index
      %get3A_894 = arith.constant 0 : index
      %get3A_895 = arith.constant 0 : index
      %get3A_896 = vector.load %arg14[%get3A_892, %get3A_893, %get3A_894, %get3A_895] : memref<1x8x1x1xf32, #tpu.memory_space<vmem>>, vector<1x8x1x1xf32>
      %reduce_sum3A_897 = vector.shape_cast %get3A_896 : vector<1x8x1x1xf32> to vector<1x1x8x1x1xf32>
      %reduce_sum3A_898 = arith.constant dense<0.000000e+00> : vector<1xf32>
      %reduce_sum3A_899 = vector.multi_reduction <add>, %reduce_sum3A_897, %reduce_sum3A_898 [1, 2, 3, 4] : vector<1x1x8x1x1xf32> to vector<1xf32>
      %reduce_sum3A_900 = vector.shape_cast %reduce_sum3A_899 : vector<1xf32> to vector<1x1x1x1x1xf32>
      %reduce_sum3A_901 = vector.extract %reduce_sum3A_900[0, 0, 0, 0, 0] : f32 from vector<1x1x1x1x1xf32>
      %mul3A_902 = arith.constant 1.250000e-01 : f32
      %mul3A_903 = arith.mulf %reduce_sum3A_901, %mul3A_902 : f32
      %iota3A = tpu.iota {dimensions = array<i32: 0>} : vector<1024x1xi32>
      %lt3A = vector.broadcast %get3A_2 : i32 to vector<1024x1xi32>
      %lt3A_904 = arith.cmpi slt, %iota3A, %lt3A : vector<1024x1xi32>
      %jit3A = arith.constant 0.000000e+00 : f32
      %broadcast_in_dim3A_905 = vector.broadcast %jit3A : f32 to vector<1024x1xf32>
      %select_n3A_906 = arith.select %lt3A_904, %add3A_891, %broadcast_in_dim3A_905 : vector<1024x1xi1>, vector<1024x1xf32>
      %reduce_sum3A_907 = vector.shape_cast %select_n3A_906 : vector<1024x1xf32> to vector<1x1024x1xf32>
      %reduce_sum3A_908 = arith.constant dense<0.000000e+00> : vector<1xf32>
      %reduce_sum3A_909 = vector.multi_reduction <add>, %reduce_sum3A_907, %reduce_sum3A_908 [1, 2] : vector<1x1024x1xf32> to vector<1xf32>
      %reduce_sum3A_910 = vector.shape_cast %reduce_sum3A_909 : vector<1xf32> to vector<1x1x1xf32>
      %reduce_sum3A_911 = vector.extract %reduce_sum3A_910[0, 0, 0] : f32 from vector<1x1x1xf32>
      %mul3A_912 = arith.constant 1.250000e-01 : f32
      %mul3A_913 = arith.mulf %reduce_sum3A_911, %mul3A_912 : f32
      %convert_element_type3A_914 = arith.sitofp %get3A_2 : i32 to f32
      %mul3A_915 = arith.mulf %convert_element_type3A_914, %mul3A_903 : f32
      %add3A_916 = arith.addf %mul3A_913, %mul3A_915 : f32
      %get3A_917 = arith.constant 0 : index
      %get3A_918 = arith.constant 0 : index
      %get3A_919 = vector.load %arg15[%get3A_917, %get3A_918] : memref<1x1xf32, #tpu.memory_space<vmem>>, vector<1x1xf32>
      %add3A_920 = vector.broadcast %add3A_916 : f32 to vector<1x1xf32>
      %add3A_921 = arith.addf %get3A_919, %add3A_920 : vector<1x1xf32>
      %swap3A = arith.constant 0 : index
      %swap3A_922 = arith.constant 0 : index
      %swap3A_923 = vector.load %arg15[%swap3A, %swap3A_922] : memref<1x1xf32, #tpu.memory_space<vmem>>, vector<1x1xf32>
      tpu.vector_store %arg15[%swap3A, %swap3A_922], %add3A_921 {strides = array<i32>} : memref<1x1xf32, #tpu.memory_space<vmem>>, vector<1x1xf32>,
    } else {
    }
    return
  }
  func.func @transform_0(%arg0: i32, %arg1: memref<23xi32, #tpu.memory_space<smem>>, %arg2: memref<23xi32, #tpu.memory_space<smem>>) -> (i32, i32) {
    %c0_i32 = arith.constant 0 : i32
    %c0_i32_0 = arith.constant 0 : i32
    return %arg0, %c0_i32 : i32, i32
  }
  func.func @transform_1(%arg0: i32, %arg1: memref<23xi32, #tpu.memory_space<smem>>, %arg2: memref<23xi32, #tpu.memory_space<smem>>) -> (i32, i32, i32) {
    %get3A = arith.index_cast %arg0 : i32 to index
    %get3A_0 = memref.load %arg1[%get3A] : memref<23xi32, #tpu.memory_space<smem>>
    %c0_i32 = arith.constant 0 : i32
    %c0_i32_1 = arith.constant 0 : i32
    %c0_i32_2 = arith.constant 0 : i32
    return %get3A_0, %c0_i32, %c0_i32_1 : i32, i32, i32
  }
  func.func @transform_2(%arg0: i32, %arg1: memref<23xi32, #tpu.memory_space<smem>>, %arg2: memref<23xi32, #tpu.memory_space<smem>>) -> (i32, i32, i32) {
    %get3A = arith.index_cast %arg0 : i32 to index
    %get3A_0 = memref.load %arg1[%get3A] : memref<23xi32, #tpu.memory_space<smem>>
    %c0_i32 = arith.constant 0 : i32
    %c0_i32_1 = arith.constant 0 : i32
    %c0_i32_2 = arith.constant 0 : i32
    return %get3A_0, %c0_i32, %c0_i32_1 : i32, i32, i32
  }
  func.func @transform_3(%arg0: i32, %arg1: memref<23xi32, #tpu.memory_space<smem>>, %arg2: memref<23xi32, #tpu.memory_space<smem>>) -> (i32, i32, i32) {
    %get3A = arith.index_cast %arg0 : i32 to index
    %get3A_0 = memref.load %arg1[%get3A] : memref<23xi32, #tpu.memory_space<smem>>
    %c0_i32 = arith.constant 0 : i32
    %c0_i32_1 = arith.constant 0 : i32
    %c0_i32_2 = arith.constant 0 : i32
    return %get3A_0, %c0_i32, %c0_i32_1 : i32, i32, i32
  }
  func.func @transform_4(%arg0: i32, %arg1: memref<23xi32, #tpu.memory_space<smem>>, %arg2: memref<23xi32, #tpu.memory_space<smem>>) -> (i32, i32, i32, i32) {
    %get3A = arith.index_cast %arg0 : i32 to index
    %get3A_0 = memref.load %arg1[%get3A] : memref<23xi32, #tpu.memory_space<smem>>
    %c0_i32 = arith.constant 0 : i32
    %c0_i32_1 = arith.constant 0 : i32
    %c0_i32_2 = arith.constant 0 : i32
    %c0_i32_3 = arith.constant 0 : i32
    return %get3A_0, %c0_i32, %c0_i32_1, %c0_i32_2 : i32, i32, i32, i32
  }
  func.func @transform_5(%arg0: i32, %arg1: memref<23xi32, #tpu.memory_space<smem>>, %arg2: memref<23xi32, #tpu.memory_space<smem>>) -> (i32, i32, i32, i32) {
    %get3A = arith.index_cast %arg0 : i32 to index
    %get3A_0 = memref.load %arg1[%get3A] : memref<23xi32, #tpu.memory_space<smem>>
    %c0_i32 = arith.constant 0 : i32
    %c0_i32_1 = arith.constant 0 : i32
    %c0_i32_2 = arith.constant 0 : i32
    %c0_i32_3 = arith.constant 0 : i32
    return %get3A_0, %c0_i32, %c0_i32_1, %c0_i32_2 : i32, i32, i32, i32
  }
  func.func @transform_6(%arg0: i32, %arg1: memref<23xi32, #tpu.memory_space<smem>>, %arg2: memref<23xi32, #tpu.memory_space<smem>>) -> (i32, i32, i32, i32) {
    %get3A = arith.index_cast %arg0 : i32 to index
    %get3A_0 = memref.load %arg1[%get3A] : memref<23xi32, #tpu.memory_space<smem>>
    %c0_i32 = arith.constant 0 : i32
    %c0_i32_1 = arith.constant 0 : i32
    %c0_i32_2 = arith.constant 0 : i32
    %c0_i32_3 = arith.constant 0 : i32
    return %get3A_0, %c0_i32, %c0_i32_1, %c0_i32_2 : i32, i32, i32, i32
  }
  func.func @transform_7(%arg0: i32, %arg1: memref<23xi32, #tpu.memory_space<smem>>, %arg2: memref<23xi32, #tpu.memory_space<smem>>) -> (i32, i32, i32, i32) {
    %get3A = arith.index_cast %arg0 : i32 to index
    %get3A_0 = memref.load %arg1[%get3A] : memref<23xi32, #tpu.memory_space<smem>>
    %c0_i32 = arith.constant 0 : i32
    %c0_i32_1 = arith.constant 0 : i32
    %c0_i32_2 = arith.constant 0 : i32
    %c0_i32_3 = arith.constant 0 : i32
    return %get3A_0, %c0_i32, %c0_i32_1, %c0_i32_2 : i32, i32, i32, i32
  }
  func.func @transform_8(%arg0: i32, %arg1: memref<23xi32, #tpu.memory_space<smem>>, %arg2: memref<23xi32, #tpu.memory_space<smem>>) -> (i32, i32, i32, i32) {
    %get3A = arith.index_cast %arg0 : i32 to index
    %get3A_0 = memref.load %arg1[%get3A] : memref<23xi32, #tpu.memory_space<smem>>
    %c0_i32 = arith.constant 0 : i32
    %c0_i32_1 = arith.constant 0 : i32
    %c0_i32_2 = arith.constant 0 : i32
    %c0_i32_3 = arith.constant 0 : i32
    return %get3A_0, %c0_i32, %c0_i32_1, %c0_i32_2 : i32, i32, i32, i32
  }
  func.func @transform_9(%arg0: i32, %arg1: memref<23xi32, #tpu.memory_space<smem>>, %arg2: memref<23xi32, #tpu.memory_space<smem>>) -> (i32, i32, i32, i32) {
    %get3A = arith.index_cast %arg0 : i32 to index
    %get3A_0 = memref.load %arg1[%get3A] : memref<23xi32, #tpu.memory_space<smem>>
    %c0_i32 = arith.constant 0 : i32
    %c0_i32_1 = arith.constant 0 : i32
    %c0_i32_2 = arith.constant 0 : i32
    %c0_i32_3 = arith.constant 0 : i32
    return %get3A_0, %c0_i32, %c0_i32_1, %c0_i32_2 : i32, i32, i32, i32
  }
  func.func @transform_10(%arg0: i32, %arg1: memref<23xi32, #tpu.memory_space<smem>>, %arg2: memref<23xi32, #tpu.memory_space<smem>>) -> (i32, i32, i32, i32) {
    %get3A = arith.index_cast %arg0 : i32 to index
    %get3A_0 = memref.load %arg1[%get3A] : memref<23xi32, #tpu.memory_space<smem>>
    %c0_i32 = arith.constant 0 : i32
    %c0_i32_1 = arith.constant 0 : i32
    %c0_i32_2 = arith.constant 0 : i32
    %c0_i32_3 = arith.constant 0 : i32
    return %get3A_0, %c0_i32, %c0_i32_1, %c0_i32_2 : i32, i32, i32, i32
  }
  func.func @transform_11(%arg0: i32, %arg1: memref<23xi32, #tpu.memory_space<smem>>, %arg2: memref<23xi32, #tpu.memory_space<smem>>) -> (i32, i32, i32, i32) {
    %get3A = arith.index_cast %arg0 : i32 to index
    %get3A_0 = memref.load %arg1[%get3A] : memref<23xi32, #tpu.memory_space<smem>>
    %c0_i32 = arith.constant 0 : i32
    %c0_i32_1 = arith.constant 0 : i32
    %c0_i32_2 = arith.constant 0 : i32
    %c0_i32_3 = arith.constant 0 : i32
    return %get3A_0, %c0_i32, %c0_i32_1, %c0_i32_2 : i32, i32, i32, i32
  }
  func.func @transform_12(%arg0: i32, %arg1: memref<23xi32, #tpu.memory_space<smem>>, %arg2: memref<23xi32, #tpu.memory_space<smem>>) -> (i32, i32) {
    %c0_i32 = arith.constant 0 : i32
    %c0_i32_0 = arith.constant 0 : i32
    %c0_i32_1 = arith.constant 0 : i32
    return %c0_i32, %c0_i32_0 : i32, i32
  }
}

</mosaic_0001>

<sc_bundles>
// kernel: kernel.4.cloned.1.call-start
scs
__scs_entry_jumppad:
0x0: {  	(pc) =	sbr.rel $0x88, $3  }
0x1: {  	(tag) =	ssettag $0x0;
	lr =	simm.s32 $0x1  }
0x2: {  	[smem:$0x3F97] =	sst lr;
	_ =	strace $0xD0000000  }
0x3: {  	_ = 	snop  }
0x4: {  	_ = 	snop  }
0x5: {  	_ = 	snop  }
0x6: {  	_ = 	snop  }
0x7: {  	_ = 	snop  }
__scs_overlays_trampoline_lowered:
0x8: {  	[smem:$0x3FA6] =	sst s0  }
0x9: {  	[smem:$0x3FA7] =	sst s1  }
0xa: {  	[smem:$0x3FA8] =	sst s2  }
0xb: {  	[smem:$0x3FA9] =	sst s3  }
0xc: {  	[smem:$0x3FAA] =	sst s4  }
0xd: {  	[smem:$0x3FAB] =	sst s5  }
0xe: {  	[smem:$0x3FAC] =	sst s6  }
0xf: {  	[smem:$0x3FAD] =	sst s7  }
0x10: {  	[smem:$0x3FAE] =	sst s8  }
0x11: {  	[smem:$0x3FAF] =	sst s9;
	s0 =	simm.s32 @!p0 $0x0  }
0x12: {  	s1 =	sld [smem:$0x3F95];
	s0 =	simm.s32 @p0 $0x1  }
0x13: {  	[smem:$0x3FB0] =	sst s0;
	s0 =	simm.s32 @!p1 $0x0  }
0x14: {  	s2 =	sld [smem:$0x3F94];
	s0 =	simm.s32 @p1 $0x1  }
0x15: {  	[smem:$0x3FB1] =	sst s0;
	s0 =	simm.s32 @!p2 $0x0  }
0x16: {  	s3 =	sld [smem:$0x3FDB];
	s0 =	simm.s32 @p2 $0x1  }
0x17: {  	s4 =	simm.s32 $0x1BF5;
	[smem:$0x3FB3] =	sst s0  }
0x18: {  	s0 =	sld [smem:$0x3F96];
	_ =	swait.ge [sflag:s4], $0x0  }
0x19: {  	s7 =	sld [smem:$0x3F97]  }
0x1a: {  	s8 =	sadd.s32 $0xFFFFE003, lr  }
0x1b: {  	s9 =	sadd.s32 $0xFFFFFEF7, lr;
	s5 =	simm.s32 $0xFFFFFFFF;
	p2 =	slt.u32 s8, $0xFFFFF086  }
0x1c: {  	p1 =	slt.u32 s9, $0xF7A;
	s5 =	simm.s32 @!p2 $0x0  }
0x1d: {  	s5 =	simm.s32 @p1 $0x1;
	p0 =	seq.s32 s7, s2  }
0x1e: {  	s7 =	smul.u32 @!p0 $0xF7A, s2;
	p2 =	seq.s32 @!p0 s5, $0x0  }
0x1f: {  	s9 =	smul.u32 $0xF7A, s1;
	s8 =	simm.s32 @!p0 $0x1BF5;
	p2 =	por !p2, p0  }
0x20: {  	[sflag:s8] =	ssyncset.s32 @!p0 $0xFFFFF086;
	s6 =	sadd.s32 @!p0 s3, s7;
	s7 =	simm.s32 @!p0 $0x108  }
0x21: {  	s3 =	sadd.s32 s3, s9;
	s6 =	sadd.s32 @!p0 $0x88, s6;
	s7 =	simm.s32 @p2 $0x1082  }
0x22: {  	[simem:s7], [sflag:s8] =	dma.local @!p0 [hbm:s6], $0xF7A  }
0x23: {  	s9 =	sor.u32 $0xD0000000, s2;
	s6 =	simm.s32 $0x108;
	_ =	swait.ge @!p0 [sflag:s8], $0x0  }
0x24: {  	s3 =	sadd.s32 $0x88, s3;
	s6 =	simm.s32 @!p1 $0x1082;
	[sflag:s4] =	ssyncset.s32 $0xFFFFF086  }
0x25: {  	[simem:s6], [sflag:s4] =	dma.local [hbm:s3], $0xF7A  }
0x26: {  	[smem:$0x3F97] =	sst s1;
	(tag) =	ssettag s2;
	_ =	strace s9  }
0x27: {  	s1 =	sld [smem:$0x3FA7]  }
0x28: {  	s2 =	sld [smem:$0x3FA8]  }
0x29: {  	s4 =	sld [smem:$0x3FAA]  }
0x2a: {  	p0 =	seq.s32 s5, $0x0;
	s5 =	sld [smem:$0x3FAB]  }
0x2b: {  	s6 =	sld [smem:$0x3FAC]  }
0x2c: {  	s7 =	sld [smem:$0x3FAD]  }
0x2d: {  	s3 =	simm.s32 $0x108;
	s8 =	sld [smem:$0x3FAE]  }
0x2e: {  	s3 =	simm.s32 @!p0 $0x1082;
	s9 =	sld [smem:$0x3FAF]  }
0x2f: {  	lr =	sadd.s32 s0, s3;
	s0 =	sld [smem:$0x3FA6]  }
0x30: {  	s3 =	sld [smem:$0x3FA9]  }
0x31: {  	[smem:$0x3FB2] =	sst s10  }
0x32: {  	s10 =	sld [smem:$0x3FB0];
	_ =	sdelay $0x3  }
0x33: {  	p0 =	seq.s32 s10, $0x1;
	s10 =	sld [smem:$0x3FB2];
	_ =	sdelay $0x3  }
0x34: {  	[smem:$0x3FB2] =	sst s10  }
0x35: {  	s10 =	sld [smem:$0x3FB1];
	_ =	sdelay $0x3  }
0x36: {  	p1 =	seq.s32 s10, $0x1;
	s10 =	sld [smem:$0x3FB2];
	_ =	sdelay $0x3  }
0x37: {  	[smem:$0x3FB2] =	sst s10  }
0x38: {  	s10 =	sld [smem:$0x3FB3]  }
0x39: {  	_ = 	snop;
	(pc) =	sbr.ind lr, $3  }
0x3a: {  	_ = 	snop  }
0x3b: {  	_ = 	snop  }
0x3c: {  	p2 =	seq.s32 s10, $0x1;
	s10 =	sld [smem:$0x3FB2]  }
0x3d: {  	_ =	shalt  }
0x3e: {  	_ =	shalt  }
0x3f: {  	_ =	shalt  }
0x40: {  	_ =	shalt  }
0x41: {  	_ =	shalt  }
0x42: {  	_ =	shalt  }
0x43: {  	_ =	shalt  }
0x44: {  	_ =	shalt  }
0x45: {  	_ =	shalt  }
0x46: {  	_ =	shalt  }
0x47: {  	_ =	shalt  }
0x48: {  	_ =	shalt  }
0x49: {  	_ =	shalt  }
0x4a: {  	_ =	shalt  }
0x4b: {  	_ =	shalt  }
0x4c: {  	_ =	shalt  }
0x4d: {  	_ =	shalt  }
0x4e: {  	_ =	shalt  }
0x4f: {  	_ =	shalt  }
0x50: {  	_ =	shalt  }
0x51: {  	_ =	shalt  }
0x52: {  	_ =	shalt  }
0x53: {  	_ =	shalt  }
0x54: {  	_ =	shalt  }
0x55: {  	_ =	shalt  }
0x56: {  	_ =	shalt  }
0x57: {  	_ =	shalt  }
0x58: {  	_ =	shalt  }
0x59: {  	_ =	shalt  }
0x5a: {  	_ =	shalt  }
0x5b: {  	_ =	shalt  }
0x5c: {  	_ =	shalt  }
0x5d: {  	_ =	shalt  }
0x5e: {  	_ =	shalt  }
0x5f: {  	_ =	shalt  }
0x60: {  	_ =	shalt  }
0x61: {  	_ =	shalt  }
0x62: {  	_ =	shalt  }
0x63: {  	_ =	shalt  }
0x64: {  	_ =	shalt  }
0x65: {  	_ =	shalt  }
0x66: {  	_ =	shalt  }
0x67: {  	_ =	shalt  }
0x68: {  	_ =	shalt  }
0x69: {  	_ =	shalt  }
0x6a: {  	_ =	shalt  }
0x6b: {  	_ =	shalt  }
0x6c: {  	_ =	shalt  }
0x6d: {  	_ =	shalt  }
0x6e: {  	_ =	shalt  }
0x6f: {  	_ =	shalt  }
0x70: {  	_ =	shalt  }
0x71: {  	_ =	shalt  }
0x72: {  	_ =	shalt  }
0x73: {  	_ =	shalt  }
0x74: {  	_ =	shalt  }
0x75: {  	_ =	shalt  }
0x76: {  	_ =	shalt  }
0x77: {  	_ =	shalt  }
0x78: {  	_ =	shalt  }
0x79: {  	_ =	shalt  }
0x7a: {  	_ =	shalt  }
0x7b: {  	_ =	shalt  }
0x7c: {  	_ =	shalt  }
0x7d: {  	_ =	shalt  }
0x7e: {  	_ =	shalt  }
0x7f: {  	_ =	shalt  }
0x80: {  	_ =	shalt  }
0x81: {  	_ =	shalt  }
0x82: {  	_ =	shalt  }
0x83: {  	_ =	shalt  }
0x84: {  	_ =	shalt  }
0x85: {  	_ =	shalt  }
0x86: {  	_ =	shalt  }
0x87: {  	_ =	shalt  }
.Lfunc_end0:
.L_simem_size_0:
called_computation_lowered:
.L_overlay_start_0:
0x88: {  	s2 =	sld [smem:$0x3FD9]  }
0x89: {  	s3 =	sld [smem:$0x3FFE];
	_ =	sdelay $0x1  }
0x8a: {  	s1 =	srdreg.scid  }
0x8b: {  	s0 =	sand.u32 $0x1, s1  }
0x8c: {  	s17 =	sshll.u32 s0, $0xA;
	s2 =	sadd.s32 s3, s2  }
0x8d: {  	s2 =	sadd.s32 s2, s17  }
0x8e: {  	[smem:$0x3FBE] =	sst s2  }
0x8f: {  	_ = 	snop  }
0x90: {  	s2 =	sld [smem:$0x3FC8];
	(tm) =	ssettm $0x1  }
0x91: {  	s18 =	sld [smem:$0x3FFB];
	_ =	sdelay $0x3  }
0x92: {  	_ =	strace s18  }
0x93: {  	s3 =	sld [smem:$0x3FFC];
	_ =	sdelay $0x3  }
0x94: {  	_ =	strace s3  }
0x95: {  	s3 =	sld [smem:$0x3FFD];
	_ =	sdelay $0x3  }
0x96: {  	_ =	strace s3  }
0x97: {  	_ =	strace $0x8FFFFFFF  }
0x98: {  	s19 =	sld [smem:$0x3FDB];
	_ =	sdelay $0x1  }
0x99: {  	s4 =	simm.s32 $_scs_section_size  }
0x9a: {  	s5 =	simm.s32 $_size__tile_overlayer_lowered;
	s6 =	simm.s32 $_tile_overlayer_lowered  }
0x9b: {  	s22 =	simm.s32 $0x1BFF;
	s21 =	sshll.u32 s6, $0x1;
	s3 =	sadd.s32 s4, s19  }
0x9c: {  	s7 =	simm.s32 $0x0;
	s20 =	sshll.u32 s5, $0x1;
	s5 =	sadd.s32 s21, s3  }
0x9d: {  	[timem:s7], [sflag:s22] =	dma.local [hbm:s5], s20  }
0x9e: {  	_ =	swait.ge [sflag:s22], s20  }
0x9f: {  	s4 =	ssub.s32 $0x0, s20;
	[sflag:s22] =	ssyncset.done $0x0  }
0xa0: {  	[sflag:s22] =	ssyncadd.s32 s4;
	_ =	sdelay $0x1  }
0xa1: {  	s23 =	simm.s32 $0x1B8B  }
0xa2: {  	_ =	swait.ge [sflag:s23], $0x1  }
0xa3: {  	[sflag:s23] =	ssyncset.done $0x0  }
0xa4: {  	s25 =	simm.s32 $0x1B8E;
	s24 =	sld [smem:$0x3FFE];
	[sflag:s23] =	ssyncadd.s32 $0xFFFFFFFF  }
0xa5: {  	s26 =	simm.s32 $execute0_lowered;
	[smem:$0x3FD2] =	sst s25  }
0xa6: {  	s5 =	sshll.u32 s26, $0x1;
	_ =	strace $0x80000046;
	[dreg:$0x1] =	wrdreg $0xFFFFFFFF  }
0xa7: {  	s28 =	simm.s32 $_size_execute0_lowered;
	s3 =	sadd.s32 s3, s5;
	[dreg:$0x0] =	wrdreg $0x0  }
0xa8: {  	s5 =	sshll.u32 s28, $0x1;
	[dreg:$0x2] =	wrdreg s3  }
0xa9: {  	[dreg:$0x3] =	wrdreg s5  }
0xaa: {  	[dreg:$0x4] =	wrdreg $0xC0  }
0xab: {  	_ =	task [dreg:s7], $0x5FFFF  }
0xac: {  	[dreg:$0x1] =	wrdreg $0xFFFFFFFF  }
0xad: {  	[dreg:$0x0] =	wrdreg $0x60  }
0xae: {  	[dreg:$0x2] =	wrdreg s2  }
0xaf: {  	[dreg:$0x3] =	wrdreg s24  }
0xb0: {  	[dreg:$0x4] =	wrdreg $0x9  }
0xb1: {  	_ =	task.clear_ibuf [dreg:s7], $0x5FFFF;
	_ =	strace $0x90000046  }
0xb2: {  	s29 =	simm.s32 $0x9;
	_ =	strace $0x80000048  }
0xb3: {  	_ =	swait.ge [sflag:s29], $0x1  }
0xb4: {  	[sflag:s29] =	ssyncadd.s32 $0xFFFFFFFF  }
0xb5: {  	_ =	strace $0x90000048  }
0xb6: {  	_ =	sfence  }
0xb7: {  	s30 =	sld [smem:$0x0];
	_ =	sdelay $0x2  }
0xb8: {  	s31 =	sshll.u32 s1, $0xD;
	s1 =	sshrl.u32 s1, $0x2  }
0xb9: {  	s3 =	sand.u32 $0x4000, s31;
	s1 =	sadd.s32 s1, s30  }
0xba: {  	s0 =	sor.u32 s3, s0;
	s1 =	sshll.u32 s1, $0x11  }
0xbb: {  	s0 =	sor.u32 s1, s0  }
0xbc: {  	s0 =	sadd.s32 $0x8F2B, s0  }
0xbd: {  	[sflag:s0] =	ssyncadd.remote.s32 $0x1  }
0xbe: {  	_ =	sfence.sel $0xFFFF  }
0xbf: {  	[dreg:$0x0] =	wrdreg $0xFFFFFFFF;
	(pc) =	sbr.abs _section_cstart, $3  }
0xc0: {  	[dreg:$0x1] =	wrdreg $0xFFFFFFFF  }
0xc1: {  	_ =	task.clear_ibuf [dreg:s7], $0x2FFFF;
	_ =	strace $0x9FFFFFFF  }
0xc2: {  	(tm) =	ssettm $0x7FFFFFFF  }
0xc3: {  	_ =	shalt  }
tec
execute0_lowered:
.L_overlay_start_1:
0x0: {  	(tag) =	ssettag $0x1  }
0x1: {  	s0 =	rddreg [dreg:$0x0];
	s1 =	srdreg.scid  }
0x2: {  	s2 =	stileid.u32;
	s4 =	rddreg [dreg:$0x1];
	s17 =	simm.s32 $0x2  }
0x3: {  	s1 =	sand.u32 $0x1, s1;
	s3 =	sshll.u32 s2, $0x1;
	s2 =	simm.s32 $0x0  }
0x4: {  	s5 =	sor.u32 s1, s3;
	[smem:$0x7FF] =	sst s2;
	s1 =	ssub.s32 $0x2, s1  }
0x5: {  	s6 =	smul.u32 $0x1800, s5;
	_ =	strace $0x80000047;
	s7 =	sshrl.u32 s1, $0x1  }
0x6: {  	s23 =	sshll.u32 s5, $0x4;
	s25 =	sshll.u32 s5, $0x7;
	s1 =	ssub.s32 s1, s7  }
0x7: {  	s24 =	sadd.s32 s4, s23;
	s8 =	sor.u32 $0x200, s23;
	s10 =	sor.u32 $0x400, s23  }
0x8: {  	s7 =	sor.u32 $0x600, s23;
	s6 =	sadd.s32 s0, s6;
	[dreg:$0x4] =	wrdreg s24  }
0x9: {  	s9 =	smul.u32 $0x180, s8;
	s8 =	sadd.s32 s4, s8;
	[dreg:$0x3] =	wrdreg s6  }
0xa: {  	s11 =	smul.u32 $0x180, s10;
	s29 =	sadd.s32 s4, s10;
	[dreg:$0x6] =	wrdreg s8  }
0xb: {  	s13 =	smul.u32 $0x180, s7;
	s7 =	sadd.s32 s4, s7;
	[dreg:$0x8] =	wrdreg s29  }
0xc: {  	s18 =	simm.s32 $0x1;
	s6 =	sor.u32 $0x4000, s25;
	[dreg:$0xa] =	wrdreg s7  }
0xd: {  	s12 =	smin.u32 s6, $0x4DA0;
	s9 =	sadd.s32 s0, s9;
	s28 =	sadd.s32 s0, s11  }
.Ltmp0:
0xe: {  	s12 =	sshrl.u32 s12, $0x3;
	[dreg:$0x5] =	wrdreg s9;
	(pc) =	sbr.rel .LBB2_1-.Ltmp0, $4  }
0xf: {  	s30 =	sadd.s32 s0, s13;
	[dreg:$0x7] =	wrdreg s28;
	s26 =	smul.u32 $0x180, s12  }
0x10: {  	v2 =	vlaneseq.u32;
	s3 =	sadd.s32 $0xA00, s4;
	[dreg:$0x9] =	wrdreg s30;
	s31 =	sadd.s32 s4, s12  }
0x11: {  	vm0 =	vmmov $0xffff;
	vm1 =	vmmov $0xff;
	v1 =	vshrl.u32 v2, $0x3;
	p0 =	sgt.u32 s5, $0x1C;
	[dreg:$0xc] =	wrdreg s31;
	s0 =	sadd.s32 s0, s26  }
0x12: {  	v0 =	vand.u32 $0x7, v2;
	v2 =	vor.u32 $0x8, v2;
	v1 =	vmul.u32 $0x8, v1;
	s15 =	smax.u32 s1, $0x1;
	s6 =	sadd.s32 $0xB00, s4;
	[dreg:$0xb] =	wrdreg s0  }
.LBB2_3:
0x13: {  	s15 =	sadd.s32 $0xFFFFFFFF, s15  }
0x14: {  	p1 =	sne.s32 s15, $0x0  }
.Ltmp1:
0x15: {  	_ = 	snop;
	(pc) =	sbr.rel @!p1 .LBB2_4-.Ltmp1, $1  }
0x16: {  	_ =	sdelay $0x3  }
.LBB2_1:
0x17: {  	s26 =	rddreg [dreg:$0x3];
	s1 =	simm.s32 $0x80  }
0x18: {  	[tilespmem:s1], [sflag:$0x1] =	stream.linear.gather [hbm4b:s26+s2], $0xC000, $0x38;
	[tilespmem:$0xC080] =	vst v63  }
0x19: {  	s5 =	rddreg [dreg:$0x4]  }
0x1a: {  	[tilespmem:s2], [sflag:$0x2] =	stream.linear.gather [hbm4b:s5+s2], $0x80, $0x38;
	[tilespmem:$0xC080] =	vst v63  }
0x1b: {  	_ =	swait.ge [sflag:s17], $0x80  }
0x1c: {  	[sflag:s17] =	ssyncset.done $0x0  }
0x1d: {  	[sflag:s17] =	ssyncadd.s32 $0xFFFFFF80  }
0x1e: {  	_ =	swait.ge [sflag:s18], $0xC000  }
0x1f: {  	[sflag:s18] =	ssyncset.done $0x0  }
0x20: {  	[sflag:s18] =	ssyncadd.s32 $0xFFFF4000  }
0x21: {  	v3 =	vld [tilespmem:$0x0];
	_ =	sdelay $0x4  }
0x22: {  	v4 =	vshrl.u32 v3, $0x3  }
0x23: {  	v4 =	vmul.u32 $0x18, v4  }
0x24: {  	v3 =	vand.u32 $0x7, v3  }
0x25: {  	v3 =	vor.u32 v3, v4  }
0x26: {  	v4 =	vperm.xlane v3, v0;
	_ =	sdelay $0x1  }
0x27: {  	v4 =	vadd.s32 v1, v4;
	_ =	sdelay $0x1  }
0x28: {  	v3 =	vperm.xlane v3, v2;
	_ =	sdelay $0x1  }
0x29: {  	v3 =	vadd.s32 v1, v3  }
0x2a: {  	[hbm4b:s3+s2] =	stream.indirect_vreg.scatter [tilespmem:s1], [sflag:$0x1], $0x80, v4, vm0, $0xb8;
	[tilespmem:$0xC080] =	vst v63  }
0x2b: {  	s0 =	simm.s32 $0x880  }
0x2c: {  	[hbm4b:s6+s2] =	stream.indirect_vreg.scatter [tilespmem:s0], [sflag:$0x1], $0x80, v4, vm1, $0xb8;
	[tilespmem:$0xC080] =	vst v63  }
0x2d: {  	s7 =	simm.s32 $0xC80  }
0x2e: {  	[hbm4b:s3+s2] =	stream.indirect_vreg.scatter [tilespmem:s7], [sflag:$0x1], $0x80, v3, vm0, $0xb8;
	[tilespmem:$0xC080] =	vst v63  }
0x2f: {  	s8 =	simm.s32 $0x1480  }
0x30: {  	[hbm4b:s6+s2] =	stream.indirect_vreg.scatter [tilespmem:s8], [sflag:$0x1], $0x80, v3, vm1, $0xb8;
	[tilespmem:$0xC080] =	vst v63  }
0x31: {  	v3 =	vld [tilespmem:$0x10];
	_ =	sdelay $0x4  }
0x32: {  	v33 =	vshrl.u32 v3, $0x3  }
0x33: {  	v4 =	vmul.u32 $0x18, v33  }
0x34: {  	v3 =	vand.u32 $0x7, v3  }
0x35: {  	v3 =	vor.u32 v3, v4  }
0x36: {  	v4 =	vperm.xlane v3, v0;
	_ =	sdelay $0x1  }
0x37: {  	v4 =	vadd.s32 v1, v4;
	_ =	sdelay $0x1  }
0x38: {  	v3 =	vperm.xlane v3, v2;
	_ =	sdelay $0x1  }
0x39: {  	s9 =	simm.s32 $0x1880;
	v3 =	vadd.s32 v1, v3  }
0x3a: {  	[hbm4b:s3+s2] =	stream.indirect_vreg.scatter [tilespmem:s9], [sflag:$0x1], $0x80, v4, vm0, $0xb8;
	[tilespmem:$0xC080] =	vst v63  }
0x3b: {  	s12 =	simm.s32 $0x2080  }
0x3c: {  	[hbm4b:s6+s2] =	stream.indirect_vreg.scatter [tilespmem:s12], [sflag:$0x1], $0x80, v4, vm1, $0xb8;
	[tilespmem:$0xC080] =	vst v63  }
0x3d: {  	s13 =	simm.s32 $0x2480  }
0x3e: {  	[hbm4b:s3+s2] =	stream.indirect_vreg.scatter [tilespmem:s13], [sflag:$0x1], $0x80, v3, vm0, $0xb8;
	[tilespmem:$0xC080] =	vst v63  }
0x3f: {  	s19 =	simm.s32 $0x2C80  }
0x40: {  	[hbm4b:s6+s2] =	stream.indirect_vreg.scatter [tilespmem:s19], [sflag:$0x1], $0x80, v3, vm1, $0xb8;
	[tilespmem:$0xC080] =	vst v63  }
0x41: {  	v3 =	vld [tilespmem:$0x20];
	_ =	sdelay $0x4  }
0x42: {  	v34 =	vshrl.u32 v3, $0x3  }
0x43: {  	v4 =	vmul.u32 $0x18, v34  }
0x44: {  	v3 =	vand.u32 $0x7, v3  }
0x45: {  	v3 =	vor.u32 v3, v4  }
0x46: {  	v4 =	vperm.xlane v3, v0;
	_ =	sdelay $0x1  }
0x47: {  	v4 =	vadd.s32 v1, v4;
	_ =	sdelay $0x1  }
0x48: {  	v3 =	vperm.xlane v3, v2;
	_ =	sdelay $0x1  }
0x49: {  	s20 =	simm.s32 $0x3080;
	v3 =	vadd.s32 v1, v3  }
0x4a: {  	[hbm4b:s3+s2] =	stream.indirect_vreg.scatter [tilespmem:s20], [sflag:$0x1], $0x80, v4, vm0, $0xb8;
	[tilespmem:$0xC080] =	vst v63  }
0x4b: {  	s21 =	simm.s32 $0x3880  }
0x4c: {  	[hbm4b:s6+s2] =	stream.indirect_vreg.scatter [tilespmem:s21], [sflag:$0x1], $0x80, v4, vm1, $0xb8;
	[tilespmem:$0xC080] =	vst v63  }
0x4d: {  	s22 =	simm.s32 $0x3C80  }
0x4e: {  	[hbm4b:s3+s2] =	stream.indirect_vreg.scatter [tilespmem:s22], [sflag:$0x1], $0x80, v3, vm0, $0xb8;
	[tilespmem:$0xC080] =	vst v63  }
0x4f: {  	s23 =	simm.s32 $0x4480  }
0x50: {  	[hbm4b:s6+s2] =	stream.indirect_vreg.scatter [tilespmem:s23], [sflag:$0x1], $0x80, v3, vm1, $0xb8;
	[tilespmem:$0xC080] =	vst v63  }
0x51: {  	v3 =	vld [tilespmem:$0x30];
	_ =	sdelay $0x4  }
0x52: {  	v35 =	vshrl.u32 v3, $0x3  }
0x53: {  	v4 =	vmul.u32 $0x18, v35  }
0x54: {  	v3 =	vand.u32 $0x7, v3  }
0x55: {  	v3 =	vor.u32 v3, v4  }
0x56: {  	v4 =	vperm.xlane v3, v0;
	_ =	sdelay $0x1  }
0x57: {  	v4 =	vadd.s32 v1, v4;
	_ =	sdelay $0x1  }
0x58: {  	v3 =	vperm.xlane v3, v2;
	_ =	sdelay $0x1  }
0x59: {  	s24 =	simm.s32 $0x4880;
	v3 =	vadd.s32 v1, v3  }
0x5a: {  	[hbm4b:s3+s2] =	stream.indirect_vreg.scatter [tilespmem:s24], [sflag:$0x1], $0x80, v4, vm0, $0xb8;
	[tilespmem:$0xC080] =	vst v63  }
0x5b: {  	s25 =	simm.s32 $0x5080  }
0x5c: {  	[hbm4b:s6+s2] =	stream.indirect_vreg.scatter [tilespmem:s25], [sflag:$0x1], $0x80, v4, vm1, $0xb8;
	[tilespmem:$0xC080] =	vst v63  }
0x5d: {  	s26 =	simm.s32 $0x5480  }
0x5e: {  	[hbm4b:s3+s2] =	stream.indirect_vreg.scatter [tilespmem:s26], [sflag:$0x1], $0x80, v3, vm0, $0xb8;
	[tilespmem:$0xC080] =	vst v63  }
0x5f: {  	s29 =	simm.s32 $0x5C80  }
0x60: {  	[hbm4b:s6+s2] =	stream.indirect_vreg.scatter [tilespmem:s29], [sflag:$0x1], $0x80, v3, vm1, $0xb8;
	[tilespmem:$0xC080] =	vst v63  }
0x61: {  	v3 =	vld [tilespmem:$0x40];
	_ =	sdelay $0x4  }
0x62: {  	v36 =	vshrl.u32 v3, $0x3  }
0x63: {  	v4 =	vmul.u32 $0x18, v36  }
0x64: {  	v3 =	vand.u32 $0x7, v3  }
0x65: {  	v3 =	vor.u32 v3, v4  }
0x66: {  	v4 =	vperm.xlane v3, v0;
	_ =	sdelay $0x1  }
0x67: {  	v4 =	vadd.s32 v1, v4;
	_ =	sdelay $0x1  }
0x68: {  	v3 =	vperm.xlane v3, v2;
	_ =	sdelay $0x1  }
0x69: {  	s30 =	simm.s32 $0x6080;
	v3 =	vadd.s32 v1, v3  }
0x6a: {  	[hbm4b:s3+s2] =	stream.indirect_vreg.scatter [tilespmem:s30], [sflag:$0x1], $0x80, v4, vm0, $0xb8;
	[tilespmem:$0xC080] =	vst v63  }
0x6b: {  	s4 =	simm.s32 $0x6880  }
0x6c: {  	[hbm4b:s6+s2] =	stream.indirect_vreg.scatter [tilespmem:s4], [sflag:$0x1], $0x80, v4, vm1, $0xb8;
	[tilespmem:$0xC080] =	vst v63  }
0x6d: {  	s5 =	simm.s32 $0x6C80  }
0x6e: {  	[hbm4b:s3+s2] =	stream.indirect_vreg.scatter [tilespmem:s5], [sflag:$0x1], $0x80, v3, vm0, $0xb8;
	[tilespmem:$0xC080] =	vst v63  }
0x6f: {  	s7 =	simm.s32 $0x7480  }
0x70: {  	[hbm4b:s6+s2] =	stream.indirect_vreg.scatter [tilespmem:s7], [sflag:$0x1], $0x80, v3, vm1, $0xb8;
	[tilespmem:$0xC080] =	vst v63  }
0x71: {  	v3 =	vld [tilespmem:$0x50];
	_ =	sdelay $0x4  }
0x72: {  	v37 =	vshrl.u32 v3, $0x3  }
0x73: {  	v4 =	vmul.u32 $0x18, v37  }
0x74: {  	v3 =	vand.u32 $0x7, v3  }
0x75: {  	v3 =	vor.u32 v3, v4  }
0x76: {  	v4 =	vperm.xlane v3, v0;
	_ =	sdelay $0x1  }
0x77: {  	v4 =	vadd.s32 v1, v4;
	_ =	sdelay $0x1  }
0x78: {  	v3 =	vperm.xlane v3, v2;
	_ =	sdelay $0x1  }
0x79: {  	s8 =	simm.s32 $0x7880;
	v3 =	vadd.s32 v1, v3  }
0x7a: {  	[hbm4b:s3+s2] =	stream.indirect_vreg.scatter [tilespmem:s8], [sflag:$0x1], $0x80, v4, vm0, $0xb8;
	[tilespmem:$0xC080] =	vst v63  }
0x7b: {  	s21 =	simm.s32 $0x8080  }
0x7c: {  	[hbm4b:s6+s2] =	stream.indirect_vreg.scatter [tilespmem:s21], [sflag:$0x1], $0x80, v4, vm1, $0xb8;
	[tilespmem:$0xC080] =	vst v63  }
0x7d: {  	s22 =	simm.s32 $0x8480  }
0x7e: {  	[hbm4b:s3+s2] =	stream.indirect_vreg.scatter [tilespmem:s22], [sflag:$0x1], $0x80, v3, vm0, $0xb8;
	[tilespmem:$0xC080] =	vst v63  }
0x7f: {  	s23 =	simm.s32 $0x8C80  }
0x80: {  	[hbm4b:s6+s2] =	stream.indirect_vreg.scatter [tilespmem:s23], [sflag:$0x1], $0x80, v3, vm1, $0xb8;
	[tilespmem:$0xC080] =	vst v63  }
0x81: {  	v3 =	vld [tilespmem:$0x60];
	_ =	sdelay $0x4  }
0x82: {  	v38 =	vshrl.u32 v3, $0x3  }
0x83: {  	v4 =	vmul.u32 $0x18, v38  }
0x84: {  	v3 =	vand.u32 $0x7, v3  }
0x85: {  	v3 =	vor.u32 v3, v4  }
0x86: {  	v4 =	vperm.xlane v3, v0;
	_ =	sdelay $0x1  }
0x87: {  	v4 =	vadd.s32 v1, v4;
	_ =	sdelay $0x1  }
0x88: {  	v3 =	vperm.xlane v3, v2;
	_ =	sdelay $0x1  }
0x89: {  	s24 =	simm.s32 $0x9080;
	v3 =	vadd.s32 v1, v3  }
0x8a: {  	[hbm4b:s3+s2] =	stream.indirect_vreg.scatter [tilespmem:s24], [sflag:$0x1], $0x80, v4, vm0, $0xb8;
	[tilespmem:$0xC080] =	vst v63  }
0x8b: {  	s25 =	simm.s32 $0x9880  }
0x8c: {  	[hbm4b:s6+s2] =	stream.indirect_vreg.scatter [tilespmem:s25], [sflag:$0x1], $0x80, v4, vm1, $0xb8;
	[tilespmem:$0xC080] =	vst v63  }
0x8d: {  	s29 =	simm.s32 $0x9C80  }
0x8e: {  	[hbm4b:s3+s2] =	stream.indirect_vreg.scatter [tilespmem:s29], [sflag:$0x1], $0x80, v3, vm0, $0xb8;
	[tilespmem:$0xC080] =	vst v63  }
0x8f: {  	s30 =	simm.s32 $0xA480  }
0x90: {  	[hbm4b:s6+s2] =	stream.indirect_vreg.scatter [tilespmem:s30], [sflag:$0x1], $0x80, v3, vm1, $0xb8;
	[tilespmem:$0xC080] =	vst v63  }
0x91: {  	v3 =	vld [tilespmem:$0x70];
	_ =	sdelay $0x4  }
0x92: {  	v39 =	vshrl.u32 v3, $0x3  }
0x93: {  	v4 =	vmul.u32 $0x18, v39  }
0x94: {  	v3 =	vand.u32 $0x7, v3  }
0x95: {  	v3 =	vor.u32 v3, v4  }
0x96: {  	v4 =	vperm.xlane v3, v0;
	_ =	sdelay $0x1  }
0x97: {  	v4 =	vadd.s32 v1, v4;
	_ =	sdelay $0x1  }
0x98: {  	v3 =	vperm.xlane v3, v2;
	_ =	sdelay $0x1  }
0x99: {  	s0 =	simm.s32 $0xA880;
	v3 =	vadd.s32 v1, v3  }
0x9a: {  	[hbm4b:s3+s2] =	stream.indirect_vreg.scatter [tilespmem:s0], [sflag:$0x1], $0x80, v4, vm0, $0xb8;
	[tilespmem:$0xC080] =	vst v63  }
0x9b: {  	s8 =	simm.s32 $0xB080  }
0x9c: {  	[hbm4b:s6+s2] =	stream.indirect_vreg.scatter [tilespmem:s8], [sflag:$0x1], $0x80, v4, vm1, $0xb8;
	[tilespmem:$0xC080] =	vst v63  }
0x9d: {  	s21 =	simm.s32 $0xB480  }
0x9e: {  	[hbm4b:s3+s2] =	stream.indirect_vreg.scatter [tilespmem:s21], [sflag:$0x1], $0x80, v3, vm0, $0xb8;
	[tilespmem:$0xC080] =	vst v63  }
0x9f: {  	s23 =	simm.s32 $0xBC80  }
0xa0: {  	[hbm4b:s6+s2] =	stream.indirect_vreg.scatter [tilespmem:s23], [sflag:$0x1], $0x80, v3, vm1, $0xb8;
	[tilespmem:$0xC080] =	vst v63  }
0xa1: {  	_ =	swait.ge [sflag:s18], $0xC000  }
0xa2: {  	[sflag:s18] =	ssyncset.done $0x0  }
0xa3: {  	s24 =	rddreg [dreg:$0x5];
	[sflag:s18] =	ssyncadd.s32 $0xFFFF4000  }
0xa4: {  	[tilespmem:s1], [sflag:$0x1] =	stream.linear.gather [hbm4b:s24+s2], $0xC000, $0x38;
	[tilespmem:$0xC080] =	vst v63  }
0xa5: {  	s25 =	rddreg [dreg:$0x6]  }
0xa6: {  	[tilespmem:s2], [sflag:$0x2] =	stream.linear.gather [hbm4b:s25+s2], $0x80, $0x38;
	[tilespmem:$0xC080] =	vst v63  }
0xa7: {  	_ =	swait.ge [sflag:s17], $0x80  }
0xa8: {  	[sflag:s17] =	ssyncset.done $0x0  }
0xa9: {  	[sflag:s17] =	ssyncadd.s32 $0xFFFFFF80  }
0xaa: {  	_ =	swait.ge [sflag:s18], $0xC000  }
0xab: {  	[sflag:s18] =	ssyncset.done $0x0  }
0xac: {  	[sflag:s18] =	ssyncadd.s32 $0xFFFF4000  }
0xad: {  	v3 =	vld [tilespmem:$0x0];
	_ =	sdelay $0x4  }
0xae: {  	v40 =	vshrl.u32 v3, $0x3  }
0xaf: {  	v4 =	vmul.u32 $0x18, v40  }
0xb0: {  	v3 =	vand.u32 $0x7, v3  }
0xb1: {  	v3 =	vor.u32 v3, v4  }
0xb2: {  	v4 =	vperm.xlane v3, v0;
	_ =	sdelay $0x1  }
0xb3: {  	v4 =	vadd.s32 v1, v4;
	_ =	sdelay $0x1  }
0xb4: {  	v3 =	vperm.xlane v3, v2;
	_ =	sdelay $0x1  }
0xb5: {  	v3 =	vadd.s32 v1, v3  }
0xb6: {  	[hbm4b:s3+s2] =	stream.indirect_vreg.scatter [tilespmem:s1], [sflag:$0x1], $0x80, v4, vm0, $0xb8;
	[tilespmem:$0xC080] =	vst v63  }
0xb7: {  	s10 =	simm.s32 $0x880  }
0xb8: {  	[hbm4b:s6+s2] =	stream.indirect_vreg.scatter [tilespmem:s10], [sflag:$0x1], $0x80, v4, vm1, $0xb8;
	[tilespmem:$0xC080] =	vst v63  }
0xb9: {  	s11 =	simm.s32 $0xC80  }
0xba: {  	[hbm4b:s3+s2] =	stream.indirect_vreg.scatter [tilespmem:s11], [sflag:$0x1], $0x80, v3, vm0, $0xb8;
	[tilespmem:$0xC080] =	vst v63  }
0xbb: {  	s14 =	simm.s32 $0x1480  }
0xbc: {  	[hbm4b:s6+s2] =	stream.indirect_vreg.scatter [tilespmem:s14], [sflag:$0x1], $0x80, v3, vm1, $0xb8;
	[tilespmem:$0xC080] =	vst v63  }
0xbd: {  	v3 =	vld [tilespmem:$0x10];
	_ =	sdelay $0x4  }
0xbe: {  	v41 =	vshrl.u32 v3, $0x3  }
0xbf: {  	v4 =	vmul.u32 $0x18, v41  }
0xc0: {  	v3 =	vand.u32 $0x7, v3  }
0xc1: {  	v3 =	vor.u32 v3, v4  }
0xc2: {  	v4 =	vperm.xlane v3, v0;
	_ =	sdelay $0x1  }
0xc3: {  	v4 =	vadd.s32 v1, v4;
	_ =	sdelay $0x1  }
0xc4: {  	v3 =	vperm.xlane v3, v2;
	_ =	sdelay $0x1  }
0xc5: {  	s16 =	simm.s32 $0x1880;
	v3 =	vadd.s32 v1, v3  }
0xc6: {  	[hbm4b:s3+s2] =	stream.indirect_vreg.scatter [tilespmem:s16], [sflag:$0x1], $0x80, v4, vm0, $0xb8;
	[tilespmem:$0xC080] =	vst v63  }
0xc7: {  	s16 =	simm.s32 $0x2080  }
0xc8: {  	[hbm4b:s6+s2] =	stream.indirect_vreg.scatter [tilespmem:s16], [sflag:$0x1], $0x80, v4, vm1, $0xb8;
	[tilespmem:$0xC080] =	vst v63  }
0xc9: {  	s9 =	simm.s32 $0x2480  }
0xca: {  	[hbm4b:s3+s2] =	stream.indirect_vreg.scatter [tilespmem:s9], [sflag:$0x1], $0x80, v3, vm0, $0xb8;
	[tilespmem:$0xC080] =	vst v63  }
0xcb: {  	s13 =	simm.s32 $0x2C80  }
0xcc: {  	[hbm4b:s6+s2] =	stream.indirect_vreg.scatter [tilespmem:s13], [sflag:$0x1], $0x80, v3, vm1, $0xb8;
	[tilespmem:$0xC080] =	vst v63  }
0xcd: {  	v3 =	vld [tilespmem:$0x20];
	_ =	sdelay $0x4  }
0xce: {  	v42 =	vshrl.u32 v3, $0x3  }
0xcf: {  	v4 =	vmul.u32 $0x18, v42  }
0xd0: {  	v3 =	vand.u32 $0x7, v3  }
0xd1: {  	v3 =	vor.u32 v3, v4  }
0xd2: {  	v4 =	vperm.xlane v3, v0;
	_ =	sdelay $0x1  }
0xd3: {  	v4 =	vadd.s32 v1, v4;
	_ =	sdelay $0x1  }
0xd4: {  	v3 =	vperm.xlane v3, v2;
	_ =	sdelay $0x1  }
0xd5: {  	s9 =	simm.s32 $0x3080;
	v3 =	vadd.s32 v1, v3  }
0xd6: {  	[hbm4b:s3+s2] =	stream.indirect_vreg.scatter [tilespmem:s9], [sflag:$0x1], $0x80, v4, vm0, $0xb8;
	[tilespmem:$0xC080] =	vst v63  }
0xd7: {  	s10 =	simm.s32 $0x3880  }
0xd8: {  	[hbm4b:s6+s2] =	stream.indirect_vreg.scatter [tilespmem:s10], [sflag:$0x1], $0x80, v4, vm1, $0xb8;
	[tilespmem:$0xC080] =	vst v63  }
0xd9: {  	s11 =	simm.s32 $0x3C80  }
0xda: {  	[hbm4b:s3+s2] =	stream.indirect_vreg.scatter [tilespmem:s11], [sflag:$0x1], $0x80, v3, vm0, $0xb8;
	[tilespmem:$0xC080] =	vst v63  }
0xdb: {  	s12 =	simm.s32 $0x4480  }
0xdc: {  	[hbm4b:s6+s2] =	stream.indirect_vreg.scatter [tilespmem:s12], [sflag:$0x1], $0x80, v3, vm1, $0xb8;
	[tilespmem:$0xC080] =	vst v63  }
0xdd: {  	v3 =	vld [tilespmem:$0x30];
	_ =	sdelay $0x4  }
0xde: {  	v43 =	vshrl.u32 v3, $0x3  }
0xdf: {  	v4 =	vmul.u32 $0x18, v43  }
0xe0: {  	v3 =	vand.u32 $0x7, v3  }
0xe1: {  	v3 =	vor.u32 v3, v4  }
0xe2: {  	v4 =	vperm.xlane v3, v0;
	_ =	sdelay $0x1  }
0xe3: {  	v4 =	vadd.s32 v1, v4;
	_ =	sdelay $0x1  }
0xe4: {  	v3 =	vperm.xlane v3, v2;
	_ =	sdelay $0x1  }
0xe5: {  	s12 =	simm.s32 $0x4880;
	v3 =	vadd.s32 v1, v3  }
0xe6: {  	[hbm4b:s3+s2] =	stream.indirect_vreg.scatter [tilespmem:s12], [sflag:$0x1], $0x80, v4, vm0, $0xb8;
	[tilespmem:$0xC080] =	vst v63  }
0xe7: {  	s13 =	simm.s32 $0x5080  }
0xe8: {  	[hbm4b:s6+s2] =	stream.indirect_vreg.scatter [tilespmem:s13], [sflag:$0x1], $0x80, v4, vm1, $0xb8;
	[tilespmem:$0xC080] =	vst v63  }
0xe9: {  	s14 =	simm.s32 $0x5480  }
0xea: {  	[hbm4b:s3+s2] =	stream.indirect_vreg.scatter [tilespmem:s14], [sflag:$0x1], $0x80, v3, vm0, $0xb8;
	[tilespmem:$0xC080] =	vst v63  }
0xeb: {  	s29 =	simm.s32 $0x5C80  }
0xec: {  	[hbm4b:s6+s2] =	stream.indirect_vreg.scatter [tilespmem:s29], [sflag:$0x1], $0x80, v3, vm1, $0xb8;
	[tilespmem:$0xC080] =	vst v63  }
0xed: {  	v3 =	vld [tilespmem:$0x40];
	_ =	sdelay $0x4  }
0xee: {  	v44 =	vshrl.u32 v3, $0x3  }
0xef: {  	v4 =	vmul.u32 $0x18, v44  }
0xf0: {  	v3 =	vand.u32 $0x7, v3  }
0xf1: {  	v3 =	vor.u32 v3, v4  }
0xf2: {  	v4 =	vperm.xlane v3, v0;
	_ =	sdelay $0x1  }
0xf3: {  	v4 =	vadd.s32 v1, v4;
	_ =	sdelay $0x1  }
0xf4: {  	v3 =	vperm.xlane v3, v2;
	_ =	sdelay $0x1  }
0xf5: {  	s19 =	simm.s32 $0x6080;
	v3 =	vadd.s32 v1, v3  }
0xf6: {  	[hbm4b:s3+s2] =	stream.indirect_vreg.scatter [tilespmem:s19], [sflag:$0x1], $0x80, v4, vm0, $0xb8;
	[tilespmem:$0xC080] =	vst v63  }
0xf7: {  	s20 =	simm.s32 $0x6880  }
0xf8: {  	[hbm4b:s6+s2] =	stream.indirect_vreg.scatter [tilespmem:s20], [sflag:$0x1], $0x80, v4, vm1, $0xb8;
	[tilespmem:$0xC080] =	vst v63  }
0xf9: {  	s4 =	simm.s32 $0x6C80  }
0xfa: {  	[hbm4b:s3+s2] =	stream.indirect_vreg.scatter [tilespmem:s4], [sflag:$0x1], $0x80, v3, vm0, $0xb8;
	[tilespmem:$0xC080] =	vst v63  }
0xfb: {  	s30 =	simm.s32 $0x7480  }
0xfc: {  	[hbm4b:s6+s2] =	stream.indirect_vreg.scatter [tilespmem:s30], [sflag:$0x1], $0x80, v3, vm1, $0xb8;
	[tilespmem:$0xC080] =	vst v63  }
0xfd: {  	v3 =	vld [tilespmem:$0x50];
	_ =	sdelay $0x4  }
0xfe: {  	v45 =	vshrl.u32 v3, $0x3  }
0xff: {  	v4 =	vmul.u32 $0x18, v45  }
0x100: {  	v3 =	vand.u32 $0x7, v3  }
0x101: {  	v3 =	vor.u32 v3, v4  }
0x102: {  	v4 =	vperm.xlane v3, v0;
	_ =	sdelay $0x1  }
0x103: {  	v4 =	vadd.s32 v1, v4;
	_ =	sdelay $0x1  }
0x104: {  	v3 =	vperm.xlane v3, v2;
	_ =	sdelay $0x1  }
0x105: {  	s5 =	simm.s32 $0x7880;
	v3 =	vadd.s32 v1, v3  }
0x106: {  	[hbm4b:s3+s2] =	stream.indirect_vreg.scatter [tilespmem:s5], [sflag:$0x1], $0x80, v4, vm0, $0xb8;
	[tilespmem:$0xC080] =	vst v63  }
0x107: {  	s7 =	simm.s32 $0x8080  }
0x108: {  	[hbm4b:s6+s2] =	stream.indirect_vreg.scatter [tilespmem:s7], [sflag:$0x1], $0x80, v4, vm1, $0xb8;
	[tilespmem:$0xC080] =	vst v63  }
0x109: {  	s26 =	simm.s32 $0x8480  }
0x10a: {  	[hbm4b:s3+s2] =	stream.indirect_vreg.scatter [tilespmem:s26], [sflag:$0x1], $0x80, v3, vm0, $0xb8;
	[tilespmem:$0xC080] =	vst v63  }
0x10b: {  	s31 =	simm.s32 $0x8C80  }
0x10c: {  	[hbm4b:s6+s2] =	stream.indirect_vreg.scatter [tilespmem:s31], [sflag:$0x1], $0x80, v3, vm1, $0xb8;
	[tilespmem:$0xC080] =	vst v63  }
0x10d: {  	v3 =	vld [tilespmem:$0x60];
	_ =	sdelay $0x4  }
0x10e: {  	v46 =	vshrl.u32 v3, $0x3  }
0x10f: {  	v4 =	vmul.u32 $0x18, v46  }
0x110: {  	v3 =	vand.u32 $0x7, v3  }
0x111: {  	v3 =	vor.u32 v3, v4  }
0x112: {  	v4 =	vperm.xlane v3, v0;
	_ =	sdelay $0x1  }
0x113: {  	v4 =	vadd.s32 v1, v4;
	_ =	sdelay $0x1  }
0x114: {  	v3 =	vperm.xlane v3, v2;
	_ =	sdelay $0x1  }
0x115: {  	s5 =	simm.s32 $0x9080;
	v3 =	vadd.s32 v1, v3  }
0x116: {  	[hbm4b:s3+s2] =	stream.indirect_vreg.scatter [tilespmem:s5], [sflag:$0x1], $0x80, v4, vm0, $0xb8;
	[tilespmem:$0xC080] =	vst v63  }
0x117: {  	s7 =	simm.s32 $0x9880  }
0x118: {  	[hbm4b:s6+s2] =	stream.indirect_vreg.scatter [tilespmem:s7], [sflag:$0x1], $0x80, v4, vm1, $0xb8;
	[tilespmem:$0xC080] =	vst v63  }
0x119: {  	s19 =	simm.s32 $0x9C80  }
0x11a: {  	[hbm4b:s3+s2] =	stream.indirect_vreg.scatter [tilespmem:s19], [sflag:$0x1], $0x80, v3, vm0, $0xb8;
	[tilespmem:$0xC080] =	vst v63  }
0x11b: {  	s22 =	simm.s32 $0xA480  }
0x11c: {  	[hbm4b:s6+s2] =	stream.indirect_vreg.scatter [tilespmem:s22], [sflag:$0x1], $0x80, v3, vm1, $0xb8;
	[tilespmem:$0xC080] =	vst v63  }
0x11d: {  	v3 =	vld [tilespmem:$0x70];
	_ =	sdelay $0x4  }
0x11e: {  	v47 =	vshrl.u32 v3, $0x3  }
0x11f: {  	v4 =	vmul.u32 $0x18, v47  }
0x120: {  	v3 =	vand.u32 $0x7, v3  }
0x121: {  	v3 =	vor.u32 v3, v4  }
0x122: {  	v4 =	vperm.xlane v3, v0;
	_ =	sdelay $0x1  }
0x123: {  	v4 =	vadd.s32 v1, v4;
	_ =	sdelay $0x1  }
0x124: {  	v3 =	vperm.xlane v3, v2;
	_ =	sdelay $0x1  }
0x125: {  	s20 =	simm.s32 $0xA880;
	v3 =	vadd.s32 v1, v3  }
0x126: {  	[hbm4b:s3+s2] =	stream.indirect_vreg.scatter [tilespmem:s20], [sflag:$0x1], $0x80, v4, vm0, $0xb8;
	[tilespmem:$0xC080] =	vst v63  }
0x127: {  	s22 =	simm.s32 $0xB080  }
0x128: {  	[hbm4b:s6+s2] =	stream.indirect_vreg.scatter [tilespmem:s22], [sflag:$0x1], $0x80, v4, vm1, $0xb8;
	[tilespmem:$0xC080] =	vst v63  }
0x129: {  	s26 =	simm.s32 $0xB480  }
0x12a: {  	[hbm4b:s3+s2] =	stream.indirect_vreg.scatter [tilespmem:s26], [sflag:$0x1], $0x80, v3, vm0, $0xb8;
	[tilespmem:$0xC080] =	vst v63  }
0x12b: {  	s28 =	simm.s32 $0xBC80  }
0x12c: {  	[hbm4b:s6+s2] =	stream.indirect_vreg.scatter [tilespmem:s28], [sflag:$0x1], $0x80, v3, vm1, $0xb8;
	[tilespmem:$0xC080] =	vst v63  }
0x12d: {  	_ =	swait.ge [sflag:s18], $0xC000  }
0x12e: {  	[sflag:s18] =	ssyncset.done $0x0  }
0x12f: {  	s22 =	rddreg [dreg:$0x7];
	[sflag:s18] =	ssyncadd.s32 $0xFFFF4000  }
0x130: {  	[tilespmem:s1], [sflag:$0x1] =	stream.linear.gather [hbm4b:s22+s2], $0xC000, $0x38;
	[tilespmem:$0xC080] =	vst v63  }
0x131: {  	s22 =	rddreg [dreg:$0x8]  }
0x132: {  	[tilespmem:s2], [sflag:$0x2] =	stream.linear.gather [hbm4b:s22+s2], $0x80, $0x38;
	[tilespmem:$0xC080] =	vst v63  }
0x133: {  	_ =	swait.ge [sflag:s17], $0x80  }
0x134: {  	[sflag:s17] =	ssyncset.done $0x0  }
0x135: {  	[sflag:s17] =	ssyncadd.s32 $0xFFFFFF80  }
0x136: {  	_ =	swait.ge [sflag:s18], $0xC000  }
0x137: {  	[sflag:s18] =	ssyncset.done $0x0  }
0x138: {  	[sflag:s18] =	ssyncadd.s32 $0xFFFF4000  }
0x139: {  	v3 =	vld [tilespmem:$0x0];
	_ =	sdelay $0x4  }
0x13a: {  	v48 =	vshrl.u32 v3, $0x3  }
0x13b: {  	v4 =	vmul.u32 $0x18, v48  }
0x13c: {  	v3 =	vand.u32 $0x7, v3  }
0x13d: {  	v3 =	vor.u32 v3, v4  }
0x13e: {  	v4 =	vperm.xlane v3, v0;
	_ =	sdelay $0x1  }
0x13f: {  	v4 =	vadd.s32 v1, v4;
	_ =	sdelay $0x1  }
0x140: {  	v3 =	vperm.xlane v3, v2;
	_ =	sdelay $0x1  }
0x141: {  	v3 =	vadd.s32 v1, v3  }
0x142: {  	[hbm4b:s3+s2] =	stream.indirect_vreg.scatter [tilespmem:s1], [sflag:$0x1], $0x80, v4, vm0, $0xb8;
	[tilespmem:$0xC080] =	vst v63  }
0x143: {  	s0 =	simm.s32 $0x880  }
0x144: {  	[hbm4b:s6+s2] =	stream.indirect_vreg.scatter [tilespmem:s0], [sflag:$0x1], $0x80, v4, vm1, $0xb8;
	[tilespmem:$0xC080] =	vst v63  }
0x145: {  	s8 =	simm.s32 $0xC80  }
0x146: {  	[hbm4b:s3+s2] =	stream.indirect_vreg.scatter [tilespmem:s8], [sflag:$0x1], $0x80, v3, vm0, $0xb8;
	[tilespmem:$0xC080] =	vst v63  }
0x147: {  	s26 =	simm.s32 $0x1480  }
0x148: {  	[hbm4b:s6+s2] =	stream.indirect_vreg.scatter [tilespmem:s26], [sflag:$0x1], $0x80, v3, vm1, $0xb8;
	[tilespmem:$0xC080] =	vst v63  }
0x149: {  	v3 =	vld [tilespmem:$0x10];
	_ =	sdelay $0x4  }
0x14a: {  	v49 =	vshrl.u32 v3, $0x3  }
0x14b: {  	v4 =	vmul.u32 $0x18, v49  }
0x14c: {  	v3 =	vand.u32 $0x7, v3  }
0x14d: {  	v3 =	vor.u32 v3, v4  }
0x14e: {  	v4 =	vperm.xlane v3, v0;
	_ =	sdelay $0x1  }
0x14f: {  	v4 =	vadd.s32 v1, v4;
	_ =	sdelay $0x1  }
0x150: {  	v3 =	vperm.xlane v3, v2;
	_ =	sdelay $0x1  }
0x151: {  	s8 =	simm.s32 $0x1880;
	v3 =	vadd.s32 v1, v3  }
0x152: {  	[hbm4b:s3+s2] =	stream.indirect_vreg.scatter [tilespmem:s8], [sflag:$0x1], $0x80, v4, vm0, $0xb8;
	[tilespmem:$0xC080] =	vst v63  }
0x153: {  	_ = 	snop  }
0x154: {  	[hbm4b:s6+s2] =	stream.indirect_vreg.scatter [tilespmem:s16], [sflag:$0x1], $0x80, v4, vm1, $0xb8;
	[tilespmem:$0xC080] =	vst v63  }
0x155: {  	s21 =	simm.s32 $0x2480  }
0x156: {  	[hbm4b:s3+s2] =	stream.indirect_vreg.scatter [tilespmem:s21], [sflag:$0x1], $0x80, v3, vm0, $0xb8;
	[tilespmem:$0xC080] =	vst v63  }
0x157: {  	s22 =	simm.s32 $0x2C80  }
0x158: {  	[hbm4b:s6+s2] =	stream.indirect_vreg.scatter [tilespmem:s22], [sflag:$0x1], $0x80, v3, vm1, $0xb8;
	[tilespmem:$0xC080] =	vst v63  }
0x159: {  	v3 =	vld [tilespmem:$0x20];
	_ =	sdelay $0x4  }
0x15a: {  	v50 =	vshrl.u32 v3, $0x3  }
0x15b: {  	v4 =	vmul.u32 $0x18, v50  }
0x15c: {  	v3 =	vand.u32 $0x7, v3  }
0x15d: {  	v3 =	vor.u32 v3, v4  }
0x15e: {  	v4 =	vperm.xlane v3, v0;
	_ =	sdelay $0x1  }
0x15f: {  	v4 =	vadd.s32 v1, v4;
	_ =	sdelay $0x1  }
0x160: {  	v3 =	vperm.xlane v3, v2;
	_ =	sdelay $0x1  }
0x161: {  	v3 =	vadd.s32 v1, v3  }
0x162: {  	[hbm4b:s3+s2] =	stream.indirect_vreg.scatter [tilespmem:s9], [sflag:$0x1], $0x80, v4, vm0, $0xb8;
	[tilespmem:$0xC080] =	vst v63  }
0x163: {  	_ = 	snop  }
0x164: {  	[hbm4b:s6+s2] =	stream.indirect_vreg.scatter [tilespmem:s10], [sflag:$0x1], $0x80, v4, vm1, $0xb8;
	[tilespmem:$0xC080] =	vst v63  }
0x165: {  	_ = 	snop  }
0x166: {  	[hbm4b:s3+s2] =	stream.indirect_vreg.scatter [tilespmem:s11], [sflag:$0x1], $0x80, v3, vm0, $0xb8;
	[tilespmem:$0xC080] =	vst v63  }
0x167: {  	s26 =	simm.s32 $0x4480  }
0x168: {  	[hbm4b:s6+s2] =	stream.indirect_vreg.scatter [tilespmem:s26], [sflag:$0x1], $0x80, v3, vm1, $0xb8;
	[tilespmem:$0xC080] =	vst v63  }
0x169: {  	v3 =	vld [tilespmem:$0x30];
	_ =	sdelay $0x4  }
0x16a: {  	v51 =	vshrl.u32 v3, $0x3  }
0x16b: {  	v4 =	vmul.u32 $0x18, v51  }
0x16c: {  	v3 =	vand.u32 $0x7, v3  }
0x16d: {  	v3 =	vor.u32 v3, v4  }
0x16e: {  	v4 =	vperm.xlane v3, v0;
	_ =	sdelay $0x1  }
0x16f: {  	v4 =	vadd.s32 v1, v4;
	_ =	sdelay $0x1  }
0x170: {  	v3 =	vperm.xlane v3, v2;
	_ =	sdelay $0x1  }
0x171: {  	v3 =	vadd.s32 v1, v3  }
0x172: {  	[hbm4b:s3+s2] =	stream.indirect_vreg.scatter [tilespmem:s12], [sflag:$0x1], $0x80, v4, vm0, $0xb8;
	[tilespmem:$0xC080] =	vst v63  }
0x173: {  	_ = 	snop  }
0x174: {  	[hbm4b:s6+s2] =	stream.indirect_vreg.scatter [tilespmem:s13], [sflag:$0x1], $0x80, v4, vm1, $0xb8;
	[tilespmem:$0xC080] =	vst v63  }
0x175: {  	_ = 	snop  }
0x176: {  	[hbm4b:s3+s2] =	stream.indirect_vreg.scatter [tilespmem:s14], [sflag:$0x1], $0x80, v3, vm0, $0xb8;
	[tilespmem:$0xC080] =	vst v63  }
0x177: {  	_ = 	snop  }
0x178: {  	[hbm4b:s6+s2] =	stream.indirect_vreg.scatter [tilespmem:s29], [sflag:$0x1], $0x80, v3, vm1, $0xb8;
	[tilespmem:$0xC080] =	vst v63  }
0x179: {  	v3 =	vld [tilespmem:$0x40];
	_ =	sdelay $0x4  }
0x17a: {  	v52 =	vshrl.u32 v3, $0x3  }
0x17b: {  	v4 =	vmul.u32 $0x18, v52  }
0x17c: {  	v3 =	vand.u32 $0x7, v3  }
0x17d: {  	v3 =	vor.u32 v3, v4  }
0x17e: {  	v4 =	vperm.xlane v3, v0;
	_ =	sdelay $0x1  }
0x17f: {  	v4 =	vadd.s32 v1, v4;
	_ =	sdelay $0x1  }
0x180: {  	v3 =	vperm.xlane v3, v2;
	_ =	sdelay $0x1  }
0x181: {  	s23 =	simm.s32 $0x6080;
	v3 =	vadd.s32 v1, v3  }
0x182: {  	[hbm4b:s3+s2] =	stream.indirect_vreg.scatter [tilespmem:s23], [sflag:$0x1], $0x80, v4, vm0, $0xb8;
	[tilespmem:$0xC080] =	vst v63  }
0x183: {  	s24 =	simm.s32 $0x6880  }
0x184: {  	[hbm4b:s6+s2] =	stream.indirect_vreg.scatter [tilespmem:s24], [sflag:$0x1], $0x80, v4, vm1, $0xb8;
	[tilespmem:$0xC080] =	vst v63  }
0x185: {  	s25 =	simm.s32 $0x6C80  }
0x186: {  	[hbm4b:s3+s2] =	stream.indirect_vreg.scatter [tilespmem:s25], [sflag:$0x1], $0x80, v3, vm0, $0xb8;
	[tilespmem:$0xC080] =	vst v63  }
0x187: {  	_ = 	snop  }
0x188: {  	[hbm4b:s6+s2] =	stream.indirect_vreg.scatter [tilespmem:s30], [sflag:$0x1], $0x80, v3, vm1, $0xb8;
	[tilespmem:$0xC080] =	vst v63  }
0x189: {  	v3 =	vld [tilespmem:$0x50];
	_ =	sdelay $0x4  }
0x18a: {  	v53 =	vshrl.u32 v3, $0x3  }
0x18b: {  	v4 =	vmul.u32 $0x18, v53  }
0x18c: {  	v3 =	vand.u32 $0x7, v3  }
0x18d: {  	v3 =	vor.u32 v3, v4  }
0x18e: {  	v4 =	vperm.xlane v3, v0;
	_ =	sdelay $0x1  }
0x18f: {  	v4 =	vadd.s32 v1, v4;
	_ =	sdelay $0x1  }
0x190: {  	v3 =	vperm.xlane v3, v2;
	_ =	sdelay $0x1  }
0x191: {  	s30 =	simm.s32 $0x7880;
	v3 =	vadd.s32 v1, v3  }
0x192: {  	[hbm4b:s3+s2] =	stream.indirect_vreg.scatter [tilespmem:s30], [sflag:$0x1], $0x80, v4, vm0, $0xb8;
	[tilespmem:$0xC080] =	vst v63  }
0x193: {  	s26 =	simm.s32 $0x8080  }
0x194: {  	[hbm4b:s6+s2] =	stream.indirect_vreg.scatter [tilespmem:s26], [sflag:$0x1], $0x80, v4, vm1, $0xb8;
	[tilespmem:$0xC080] =	vst v63  }
0x195: {  	s29 =	simm.s32 $0x8480  }
0x196: {  	[hbm4b:s3+s2] =	stream.indirect_vreg.scatter [tilespmem:s29], [sflag:$0x1], $0x80, v3, vm0, $0xb8;
	[tilespmem:$0xC080] =	vst v63  }
0x197: {  	s30 =	simm.s32 $0x8C80  }
0x198: {  	[hbm4b:s6+s2] =	stream.indirect_vreg.scatter [tilespmem:s30], [sflag:$0x1], $0x80, v3, vm1, $0xb8;
	[tilespmem:$0xC080] =	vst v63  }
0x199: {  	v3 =	vld [tilespmem:$0x60];
	_ =	sdelay $0x4  }
0x19a: {  	v54 =	vshrl.u32 v3, $0x3  }
0x19b: {  	v4 =	vmul.u32 $0x18, v54  }
0x19c: {  	v3 =	vand.u32 $0x7, v3  }
0x19d: {  	v3 =	vor.u32 v3, v4  }
0x19e: {  	v4 =	vperm.xlane v3, v0;
	_ =	sdelay $0x1  }
0x19f: {  	v4 =	vadd.s32 v1, v4;
	_ =	sdelay $0x1  }
0x1a0: {  	v3 =	vperm.xlane v3, v2;
	_ =	sdelay $0x1  }
0x1a1: {  	s4 =	simm.s32 $0x9080;
	v3 =	vadd.s32 v1, v3  }
0x1a2: {  	[hbm4b:s3+s2] =	stream.indirect_vreg.scatter [tilespmem:s4], [sflag:$0x1], $0x80, v4, vm0, $0xb8;
	[tilespmem:$0xC080] =	vst v63  }
0x1a3: {  	s5 =	simm.s32 $0x9880  }
0x1a4: {  	[hbm4b:s6+s2] =	stream.indirect_vreg.scatter [tilespmem:s5], [sflag:$0x1], $0x80, v4, vm1, $0xb8;
	[tilespmem:$0xC080] =	vst v63  }
0x1a5: {  	s25 =	simm.s32 $0x9C80  }
0x1a6: {  	[hbm4b:s3+s2] =	stream.indirect_vreg.scatter [tilespmem:s25], [sflag:$0x1], $0x80, v3, vm0, $0xb8;
	[tilespmem:$0xC080] =	vst v63  }
0x1a7: {  	s31 =	simm.s32 $0xA480  }
0x1a8: {  	[hbm4b:s6+s2] =	stream.indirect_vreg.scatter [tilespmem:s31], [sflag:$0x1], $0x80, v3, vm1, $0xb8;
	[tilespmem:$0xC080] =	vst v63  }
0x1a9: {  	v3 =	vld [tilespmem:$0x70];
	_ =	sdelay $0x4  }
0x1aa: {  	v55 =	vshrl.u32 v3, $0x3  }
0x1ab: {  	v4 =	vmul.u32 $0x18, v55  }
0x1ac: {  	v3 =	vand.u32 $0x7, v3  }
0x1ad: {  	v3 =	vor.u32 v3, v4  }
0x1ae: {  	v4 =	vperm.xlane v3, v0;
	_ =	sdelay $0x1  }
0x1af: {  	v4 =	vadd.s32 v1, v4;
	_ =	sdelay $0x1  }
0x1b0: {  	v3 =	vperm.xlane v3, v2;
	_ =	sdelay $0x1  }
0x1b1: {  	s7 =	simm.s32 $0xA880;
	v3 =	vadd.s32 v1, v3  }
0x1b2: {  	[hbm4b:s3+s2] =	stream.indirect_vreg.scatter [tilespmem:s7], [sflag:$0x1], $0x80, v4, vm0, $0xb8;
	[tilespmem:$0xC080] =	vst v63  }
0x1b3: {  	s19 =	simm.s32 $0xB080  }
0x1b4: {  	[hbm4b:s6+s2] =	stream.indirect_vreg.scatter [tilespmem:s19], [sflag:$0x1], $0x80, v4, vm1, $0xb8;
	[tilespmem:$0xC080] =	vst v63  }
0x1b5: {  	s20 =	simm.s32 $0xB480  }
0x1b6: {  	[hbm4b:s3+s2] =	stream.indirect_vreg.scatter [tilespmem:s20], [sflag:$0x1], $0x80, v3, vm0, $0xb8;
	[tilespmem:$0xC080] =	vst v63  }
0x1b7: {  	s26 =	simm.s32 $0xBC80  }
0x1b8: {  	[hbm4b:s6+s2] =	stream.indirect_vreg.scatter [tilespmem:s26], [sflag:$0x1], $0x80, v3, vm1, $0xb8;
	[tilespmem:$0xC080] =	vst v63  }
0x1b9: {  	_ =	swait.ge [sflag:s18], $0xC000  }
0x1ba: {  	[sflag:s18] =	ssyncset.done $0x0  }
0x1bb: {  	s26 =	rddreg [dreg:$0x9];
	[sflag:s18] =	ssyncadd.s32 $0xFFFF4000  }
0x1bc: {  	[tilespmem:s1], [sflag:$0x1] =	stream.linear.gather [hbm4b:s26+s2], $0xC000, $0x38;
	[tilespmem:$0xC080] =	vst v63  }
0x1bd: {  	s26 =	rddreg [dreg:$0xa]  }
0x1be: {  	[tilespmem:s2], [sflag:$0x2] =	stream.linear.gather [hbm4b:s26+s2], $0x80, $0x38;
	[tilespmem:$0xC080] =	vst v63  }
0x1bf: {  	_ =	swait.ge [sflag:s17], $0x80  }
0x1c0: {  	[sflag:s17] =	ssyncset.done $0x0  }
0x1c1: {  	[sflag:s17] =	ssyncadd.s32 $0xFFFFFF80  }
0x1c2: {  	_ =	swait.ge [sflag:s18], $0xC000  }
0x1c3: {  	[sflag:s18] =	ssyncset.done $0x0  }
0x1c4: {  	[sflag:s18] =	ssyncadd.s32 $0xFFFF4000  }
0x1c5: {  	v3 =	vld [tilespmem:$0x0];
	_ =	sdelay $0x4  }
0x1c6: {  	v56 =	vshrl.u32 v3, $0x3  }
0x1c7: {  	v4 =	vmul.u32 $0x18, v56  }
0x1c8: {  	v3 =	vand.u32 $0x7, v3  }
0x1c9: {  	v3 =	vor.u32 v3, v4  }
0x1ca: {  	v4 =	vperm.xlane v3, v0;
	_ =	sdelay $0x1  }
0x1cb: {  	v4 =	vadd.s32 v1, v4;
	_ =	sdelay $0x1  }
0x1cc: {  	v3 =	vperm.xlane v3, v2;
	_ =	sdelay $0x1  }
0x1cd: {  	v3 =	vadd.s32 v1, v3  }
0x1ce: {  	[hbm4b:s3+s2] =	stream.indirect_vreg.scatter [tilespmem:s1], [sflag:$0x1], $0x80, v4, vm0, $0xb8;
	[tilespmem:$0xC080] =	vst v63  }
0x1cf: {  	s26 =	simm.s32 $0x880  }
0x1d0: {  	[hbm4b:s6+s2] =	stream.indirect_vreg.scatter [tilespmem:s26], [sflag:$0x1], $0x80, v4, vm1, $0xb8;
	[tilespmem:$0xC080] =	vst v63  }
0x1d1: {  	s26 =	simm.s32 $0xC80  }
0x1d2: {  	[hbm4b:s3+s2] =	stream.indirect_vreg.scatter [tilespmem:s26], [sflag:$0x1], $0x80, v3, vm0, $0xb8;
	[tilespmem:$0xC080] =	vst v63  }
0x1d3: {  	s26 =	simm.s32 $0x1480  }
0x1d4: {  	[hbm4b:s6+s2] =	stream.indirect_vreg.scatter [tilespmem:s26], [sflag:$0x1], $0x80, v3, vm1, $0xb8;
	[tilespmem:$0xC080] =	vst v63  }
0x1d5: {  	v3 =	vld [tilespmem:$0x10];
	_ =	sdelay $0x4  }
0x1d6: {  	v57 =	vshrl.u32 v3, $0x3  }
0x1d7: {  	v4 =	vmul.u32 $0x18, v57  }
0x1d8: {  	v3 =	vand.u32 $0x7, v3  }
0x1d9: {  	v3 =	vor.u32 v3, v4  }
0x1da: {  	v4 =	vperm.xlane v3, v0;
	_ =	sdelay $0x1  }
0x1db: {  	v4 =	vadd.s32 v1, v4;
	_ =	sdelay $0x1  }
0x1dc: {  	v3 =	vperm.xlane v3, v2;
	_ =	sdelay $0x1  }
0x1dd: {  	s0 =	simm.s32 $0x1880;
	v3 =	vadd.s32 v1, v3  }
0x1de: {  	[hbm4b:s3+s2] =	stream.indirect_vreg.scatter [tilespmem:s0], [sflag:$0x1], $0x80, v4, vm0, $0xb8;
	[tilespmem:$0xC080] =	vst v63  }
0x1df: {  	s8 =	simm.s32 $0x2080  }
0x1e0: {  	[hbm4b:s6+s2] =	stream.indirect_vreg.scatter [tilespmem:s8], [sflag:$0x1], $0x80, v4, vm1, $0xb8;
	[tilespmem:$0xC080] =	vst v63  }
0x1e1: {  	s21 =	simm.s32 $0x2480  }
0x1e2: {  	[hbm4b:s3+s2] =	stream.indirect_vreg.scatter [tilespmem:s21], [sflag:$0x1], $0x80, v3, vm0, $0xb8;
	[tilespmem:$0xC080] =	vst v63  }
0x1e3: {  	s8 =	simm.s32 $0x2C80  }
0x1e4: {  	[hbm4b:s6+s2] =	stream.indirect_vreg.scatter [tilespmem:s8], [sflag:$0x1], $0x80, v3, vm1, $0xb8;
	[tilespmem:$0xC080] =	vst v63  }
0x1e5: {  	v3 =	vld [tilespmem:$0x20];
	_ =	sdelay $0x4  }
0x1e6: {  	v58 =	vshrl.u32 v3, $0x3  }
0x1e7: {  	v4 =	vmul.u32 $0x18, v58  }
0x1e8: {  	v3 =	vand.u32 $0x7, v3  }
0x1e9: {  	v3 =	vor.u32 v3, v4  }
0x1ea: {  	v4 =	vperm.xlane v3, v0;
	_ =	sdelay $0x1  }
0x1eb: {  	v4 =	vadd.s32 v1, v4;
	_ =	sdelay $0x1  }
0x1ec: {  	v3 =	vperm.xlane v3, v2;
	_ =	sdelay $0x1  }
0x1ed: {  	s9 =	simm.s32 $0x3080;
	v3 =	vadd.s32 v1, v3  }
0x1ee: {  	[hbm4b:s3+s2] =	stream.indirect_vreg.scatter [tilespmem:s9], [sflag:$0x1], $0x80, v4, vm0, $0xb8;
	[tilespmem:$0xC080] =	vst v63  }
0x1ef: {  	s10 =	simm.s32 $0x3880  }
0x1f0: {  	[hbm4b:s6+s2] =	stream.indirect_vreg.scatter [tilespmem:s10], [sflag:$0x1], $0x80, v4, vm1, $0xb8;
	[tilespmem:$0xC080] =	vst v63  }
0x1f1: {  	s11 =	simm.s32 $0x3C80  }
0x1f2: {  	[hbm4b:s3+s2] =	stream.indirect_vreg.scatter [tilespmem:s11], [sflag:$0x1], $0x80, v3, vm0, $0xb8;
	[tilespmem:$0xC080] =	vst v63  }
0x1f3: {  	s21 =	simm.s32 $0x4480  }
0x1f4: {  	[hbm4b:s6+s2] =	stream.indirect_vreg.scatter [tilespmem:s21], [sflag:$0x1], $0x80, v3, vm1, $0xb8;
	[tilespmem:$0xC080] =	vst v63  }
0x1f5: {  	v3 =	vld [tilespmem:$0x30];
	_ =	sdelay $0x4  }
0x1f6: {  	v59 =	vshrl.u32 v3, $0x3  }
0x1f7: {  	v4 =	vmul.u32 $0x18, v59  }
0x1f8: {  	v3 =	vand.u32 $0x7, v3  }
0x1f9: {  	v3 =	vor.u32 v3, v4  }
0x1fa: {  	v4 =	vperm.xlane v3, v0;
	_ =	sdelay $0x1  }
0x1fb: {  	v4 =	vadd.s32 v1, v4;
	_ =	sdelay $0x1  }
0x1fc: {  	v3 =	vperm.xlane v3, v2;
	_ =	sdelay $0x1  }
0x1fd: {  	s16 =	simm.s32 $0x4880;
	v3 =	vadd.s32 v1, v3  }
0x1fe: {  	[hbm4b:s3+s2] =	stream.indirect_vreg.scatter [tilespmem:s16], [sflag:$0x1], $0x80, v4, vm0, $0xb8;
	[tilespmem:$0xC080] =	vst v63  }
0x1ff: {  	s12 =	simm.s32 $0x5080  }
0x200: {  	[hbm4b:s6+s2] =	stream.indirect_vreg.scatter [tilespmem:s12], [sflag:$0x1], $0x80, v4, vm1, $0xb8;
	[tilespmem:$0xC080] =	vst v63  }
0x201: {  	s14 =	simm.s32 $0x5480  }
0x202: {  	[hbm4b:s3+s2] =	stream.indirect_vreg.scatter [tilespmem:s14], [sflag:$0x1], $0x80, v3, vm0, $0xb8;
	[tilespmem:$0xC080] =	vst v63  }
0x203: {  	s28 =	simm.s32 $0x5C80  }
0x204: {  	[hbm4b:s6+s2] =	stream.indirect_vreg.scatter [tilespmem:s28], [sflag:$0x1], $0x80, v3, vm1, $0xb8;
	[tilespmem:$0xC080] =	vst v63  }
0x205: {  	v3 =	vld [tilespmem:$0x40];
	_ =	sdelay $0x4  }
0x206: {  	v60 =	vshrl.u32 v3, $0x3  }
0x207: {  	v4 =	vmul.u32 $0x18, v60  }
0x208: {  	v3 =	vand.u32 $0x7, v3  }
0x209: {  	v3 =	vor.u32 v3, v4  }
0x20a: {  	v4 =	vperm.xlane v3, v0;
	_ =	sdelay $0x1  }
0x20b: {  	v4 =	vadd.s32 v1, v4;
	_ =	sdelay $0x1  }
0x20c: {  	v3 =	vperm.xlane v3, v2;
	_ =	sdelay $0x1  }
0x20d: {  	s22 =	simm.s32 $0x6080;
	v3 =	vadd.s32 v1, v3  }
0x20e: {  	[hbm4b:s3+s2] =	stream.indirect_vreg.scatter [tilespmem:s22], [sflag:$0x1], $0x80, v4, vm0, $0xb8;
	[tilespmem:$0xC080] =	vst v63  }
0x20f: {  	s23 =	simm.s32 $0x6880  }
0x210: {  	[hbm4b:s6+s2] =	stream.indirect_vreg.scatter [tilespmem:s23], [sflag:$0x1], $0x80, v4, vm1, $0xb8;
	[tilespmem:$0xC080] =	vst v63  }
0x211: {  	s24 =	simm.s32 $0x6C80  }
0x212: {  	[hbm4b:s3+s2] =	stream.indirect_vreg.scatter [tilespmem:s24], [sflag:$0x1], $0x80, v3, vm0, $0xb8;
	[tilespmem:$0xC080] =	vst v63  }
0x213: {  	s13 =	simm.s32 $0x7480  }
0x214: {  	[hbm4b:s6+s2] =	stream.indirect_vreg.scatter [tilespmem:s13], [sflag:$0x1], $0x80, v3, vm1, $0xb8;
	[tilespmem:$0xC080] =	vst v63  }
0x215: {  	v3 =	vld [tilespmem:$0x50];
	_ =	sdelay $0x4  }
0x216: {  	v61 =	vshrl.u32 v3, $0x3  }
0x217: {  	v4 =	vmul.u32 $0x18, v61  }
0x218: {  	v3 =	vand.u32 $0x7, v3  }
0x219: {  	v3 =	vor.u32 v3, v4  }
0x21a: {  	v4 =	vperm.xlane v3, v0;
	_ =	sdelay $0x1  }
0x21b: {  	v4 =	vadd.s32 v1, v4;
	_ =	sdelay $0x1  }
0x21c: {  	v3 =	vperm.xlane v3, v2;
	_ =	sdelay $0x1  }
0x21d: {  	s22 =	simm.s32 $0x7880;
	v3 =	vadd.s32 v1, v3  }
0x21e: {  	[hbm4b:s3+s2] =	stream.indirect_vreg.scatter [tilespmem:s22], [sflag:$0x1], $0x80, v4, vm0, $0xb8;
	[tilespmem:$0xC080] =	vst v63  }
0x21f: {  	s23 =	simm.s32 $0x8080  }
0x220: {  	[hbm4b:s6+s2] =	stream.indirect_vreg.scatter [tilespmem:s23], [sflag:$0x1], $0x80, v4, vm1, $0xb8;
	[tilespmem:$0xC080] =	vst v63  }
0x221: {  	s24 =	simm.s32 $0x8480  }
0x222: {  	[hbm4b:s3+s2] =	stream.indirect_vreg.scatter [tilespmem:s24], [sflag:$0x1], $0x80, v3, vm0, $0xb8;
	[tilespmem:$0xC080] =	vst v63  }
0x223: {  	s26 =	simm.s32 $0x8C80  }
0x224: {  	[hbm4b:s6+s2] =	stream.indirect_vreg.scatter [tilespmem:s26], [sflag:$0x1], $0x80, v3, vm1, $0xb8;
	[tilespmem:$0xC080] =	vst v63  }
0x225: {  	v3 =	vld [tilespmem:$0x60];
	_ =	sdelay $0x4  }
0x226: {  	v62 =	vshrl.u32 v3, $0x3  }
0x227: {  	v4 =	vmul.u32 $0x18, v62  }
0x228: {  	v3 =	vand.u32 $0x7, v3  }
0x229: {  	v3 =	vor.u32 v3, v4  }
0x22a: {  	v4 =	vperm.xlane v3, v0;
	_ =	sdelay $0x1  }
0x22b: {  	v4 =	vadd.s32 v1, v4;
	_ =	sdelay $0x1  }
0x22c: {  	v3 =	vperm.xlane v3, v2;
	_ =	sdelay $0x1  }
0x22d: {  	s29 =	simm.s32 $0x9080;
	v3 =	vadd.s32 v1, v3  }
0x22e: {  	[hbm4b:s3+s2] =	stream.indirect_vreg.scatter [tilespmem:s29], [sflag:$0x1], $0x80, v4, vm0, $0xb8;
	[tilespmem:$0xC080] =	vst v63  }
0x22f: {  	s4 =	simm.s32 $0x9880  }
0x230: {  	[hbm4b:s6+s2] =	stream.indirect_vreg.scatter [tilespmem:s4], [sflag:$0x1], $0x80, v4, vm1, $0xb8;
	[tilespmem:$0xC080] =	vst v63  }
0x231: {  	s30 =	simm.s32 $0x9C80  }
0x232: {  	[hbm4b:s3+s2] =	stream.indirect_vreg.scatter [tilespmem:s30], [sflag:$0x1], $0x80, v3, vm0, $0xb8;
	[tilespmem:$0xC080] =	vst v63  }
0x233: {  	s25 =	simm.s32 $0xA480  }
0x234: {  	[hbm4b:s6+s2] =	stream.indirect_vreg.scatter [tilespmem:s25], [sflag:$0x1], $0x80, v3, vm1, $0xb8;
	[tilespmem:$0xC080] =	vst v63  }
0x235: {  	v3 =	vld [tilespmem:$0x70];
	_ =	sdelay $0x4  }
0x236: {  	v63 =	vshrl.u32 v3, $0x3  }
0x237: {  	v4 =	vmul.u32 $0x18, v63  }
0x238: {  	v3 =	vand.u32 $0x7, v3  }
0x239: {  	v3 =	vor.u32 v3, v4  }
0x23a: {  	v4 =	vperm.xlane v3, v0;
	_ =	sdelay $0x1  }
0x23b: {  	v4 =	vadd.s32 v1, v4;
	_ =	sdelay $0x1  }
0x23c: {  	v3 =	vperm.xlane v3, v2;
	_ =	sdelay $0x1  }
0x23d: {  	s5 =	simm.s32 $0xA880;
	s31 =	simm.s32 $0x1880;
	s7 =	simm.s32 $0xB080;
	v3 =	vadd.s32 v1, v3  }
0x23e: {  	[hbm4b:s3+s2] =	stream.indirect_vreg.scatter [tilespmem:s5], [sflag:$0x1], $0x80, v4, vm0, $0xb8;
	[tilespmem:$0xC080] =	vst v63  }
0x23f: {  	s19 =	simm.s32 $0xB480;
	s20 =	simm.s32 $0xBC80;
	s1 =	simm.s32 $0x1480  }
0x240: {  	[hbm4b:s6+s2] =	stream.indirect_vreg.scatter [tilespmem:s7], [sflag:$0x1], $0x80, v4, vm1, $0xb8;
	[tilespmem:$0xC080] =	vst v63  }
0x241: {  	s8 =	simm.s32 $0x4880;
	s9 =	simm.s32 $0x5480;
	s10 =	simm.s32 $0x5C80  }
0x242: {  	[hbm4b:s3+s2] =	stream.indirect_vreg.scatter [tilespmem:s19], [sflag:$0x1], $0x80, v3, vm0, $0xb8;
	[tilespmem:$0xC080] =	vst v63  }
.Ltmp2:
0x243: {  	s11 =	simm.s32 $0x6080;
	s16 =	simm.s32 $0x5080;
	(pc) =	sbr.rel @p0 .LBB2_3-.Ltmp2, $4  }
0x244: {  	[hbm4b:s6+s2] =	stream.indirect_vreg.scatter [tilespmem:s20], [sflag:$0x1], $0x80, v3, vm1, $0xb8;
	[tilespmem:$0xC080] =	vst v63  }
0x245: {  	s12 =	simm.s32 $0x6880;
	s14 =	simm.s32 $0x6C80;
	_ =	swait.ge [sflag:s18], $0xC000  }
0x246: {  	s28 =	simm.s32 $0x9080;
	s13 =	simm.s32 $0x7880;
	[sflag:s18] =	ssyncset.done $0x0  }
0x247: {  	s23 =	simm.s32 $0x8480;
	s24 =	simm.s32 $0x8C80;
	[sflag:s18] =	ssyncadd.s32 $0xFFFF4000  }
0x248: {  	s26 =	rddreg [dreg:$0xb];
	s0 =	simm.s32 $0x80  }
0x249: {  	[tilespmem:s0], [sflag:$0x1] =	stream.linear.gather [hbm4b:s26+s2], $0xC000, $0x38;
	[tilespmem:$0xC080] =	vst v63  }
0x24a: {  	s25 =	rddreg [dreg:$0xc]  }
0x24b: {  	[tilespmem:s2], [sflag:$0x2] =	stream.linear.gather [hbm4b:s25+s2], $0x80, $0x38;
	[tilespmem:$0xC080] =	vst v63  }
0x24c: {  	_ =	swait.ge [sflag:s17], $0x80  }
0x24d: {  	[sflag:s17] =	ssyncset.done $0x0  }
0x24e: {  	[sflag:s17] =	ssyncadd.s32 $0xFFFFFF80  }
0x24f: {  	_ =	swait.ge [sflag:s18], $0xC000  }
0x250: {  	[sflag:s18] =	ssyncset.done $0x0  }
0x251: {  	[sflag:s18] =	ssyncadd.s32 $0xFFFF4000  }
0x252: {  	v3 =	vld [tilespmem:$0x0];
	_ =	sdelay $0x4  }
0x253: {  	v4 =	vshrl.u32 v3, $0x3  }
0x254: {  	v4 =	vmul.u32 $0x18, v4  }
0x255: {  	v3 =	vand.u32 $0x7, v3  }
0x256: {  	v3 =	vor.u32 v3, v4  }
0x257: {  	v4 =	vperm.xlane v3, v0;
	_ =	sdelay $0x1  }
0x258: {  	v4 =	vadd.s32 v1, v4;
	_ =	sdelay $0x1  }
0x259: {  	v3 =	vperm.xlane v3, v2;
	_ =	sdelay $0x1  }
0x25a: {  	v3 =	vadd.s32 v1, v3  }
0x25b: {  	[hbm4b:s3+s2] =	stream.indirect_vreg.scatter [tilespmem:s0], [sflag:$0x1], $0x80, v4, vm0, $0xb8;
	[tilespmem:$0xC080] =	vst v63  }
0x25c: {  	s29 =	simm.s32 $0x880  }
0x25d: {  	[hbm4b:s6+s2] =	stream.indirect_vreg.scatter [tilespmem:s29], [sflag:$0x1], $0x80, v4, vm1, $0xb8;
	[tilespmem:$0xC080] =	vst v63  }
0x25e: {  	s30 =	simm.s32 $0xC80  }
0x25f: {  	[hbm4b:s3+s2] =	stream.indirect_vreg.scatter [tilespmem:s30], [sflag:$0x1], $0x80, v3, vm0, $0xb8;
	[tilespmem:$0xC080] =	vst v63  }
0x260: {  	_ = 	snop  }
0x261: {  	[hbm4b:s6+s2] =	stream.indirect_vreg.scatter [tilespmem:s1], [sflag:$0x1], $0x80, v3, vm1, $0xb8;
	[tilespmem:$0xC080] =	vst v63  }
0x262: {  	v3 =	vld [tilespmem:$0x10];
	_ =	sdelay $0x4  }
0x263: {  	v57 =	vshrl.u32 v3, $0x3  }
0x264: {  	v4 =	vmul.u32 $0x18, v57  }
0x265: {  	v3 =	vand.u32 $0x7, v3  }
0x266: {  	v3 =	vor.u32 v3, v4  }
0x267: {  	v4 =	vperm.xlane v3, v0;
	_ =	sdelay $0x1  }
0x268: {  	v4 =	vadd.s32 v1, v4;
	_ =	sdelay $0x1  }
0x269: {  	v3 =	vperm.xlane v3, v2;
	_ =	sdelay $0x1  }
0x26a: {  	v3 =	vadd.s32 v1, v3  }
0x26b: {  	[hbm4b:s3+s2] =	stream.indirect_vreg.scatter [tilespmem:s31], [sflag:$0x1], $0x80, v4, vm0, $0xb8;
	[tilespmem:$0xC080] =	vst v63  }
0x26c: {  	s31 =	simm.s32 $0x2080  }
0x26d: {  	[hbm4b:s6+s2] =	stream.indirect_vreg.scatter [tilespmem:s31], [sflag:$0x1], $0x80, v4, vm1, $0xb8;
	[tilespmem:$0xC080] =	vst v63  }
0x26e: {  	s1 =	simm.s32 $0x2480  }
0x26f: {  	[hbm4b:s3+s2] =	stream.indirect_vreg.scatter [tilespmem:s1], [sflag:$0x1], $0x80, v3, vm0, $0xb8;
	[tilespmem:$0xC080] =	vst v63  }
0x270: {  	s4 =	simm.s32 $0x2C80  }
0x271: {  	[hbm4b:s6+s2] =	stream.indirect_vreg.scatter [tilespmem:s4], [sflag:$0x1], $0x80, v3, vm1, $0xb8;
	[tilespmem:$0xC080] =	vst v63  }
0x272: {  	v3 =	vld [tilespmem:$0x20];
	_ =	sdelay $0x4  }
0x273: {  	v58 =	vshrl.u32 v3, $0x3  }
0x274: {  	v4 =	vmul.u32 $0x18, v58  }
0x275: {  	v3 =	vand.u32 $0x7, v3  }
0x276: {  	v3 =	vor.u32 v3, v4  }
0x277: {  	v4 =	vperm.xlane v3, v0;
	_ =	sdelay $0x1  }
0x278: {  	v4 =	vadd.s32 v1, v4;
	_ =	sdelay $0x1  }
0x279: {  	v3 =	vperm.xlane v3, v2;
	_ =	sdelay $0x1  }
0x27a: {  	s5 =	simm.s32 $0x3080;
	v3 =	vadd.s32 v1, v3  }
0x27b: {  	[hbm4b:s3+s2] =	stream.indirect_vreg.scatter [tilespmem:s5], [sflag:$0x1], $0x80, v4, vm0, $0xb8;
	[tilespmem:$0xC080] =	vst v63  }
0x27c: {  	s7 =	simm.s32 $0x3880  }
0x27d: {  	[hbm4b:s6+s2] =	stream.indirect_vreg.scatter [tilespmem:s7], [sflag:$0x1], $0x80, v4, vm1, $0xb8;
	[tilespmem:$0xC080] =	vst v63  }
0x27e: {  	s19 =	simm.s32 $0x3C80  }
0x27f: {  	[hbm4b:s3+s2] =	stream.indirect_vreg.scatter [tilespmem:s19], [sflag:$0x1], $0x80, v3, vm0, $0xb8;
	[tilespmem:$0xC080] =	vst v63  }
0x280: {  	s20 =	simm.s32 $0x4480  }
0x281: {  	[hbm4b:s6+s2] =	stream.indirect_vreg.scatter [tilespmem:s20], [sflag:$0x1], $0x80, v3, vm1, $0xb8;
	[tilespmem:$0xC080] =	vst v63  }
0x282: {  	v3 =	vld [tilespmem:$0x30];
	_ =	sdelay $0x4  }
0x283: {  	v59 =	vshrl.u32 v3, $0x3  }
0x284: {  	v4 =	vmul.u32 $0x18, v59  }
0x285: {  	v3 =	vand.u32 $0x7, v3  }
0x286: {  	v3 =	vor.u32 v3, v4  }
0x287: {  	v4 =	vperm.xlane v3, v0;
	_ =	sdelay $0x1  }
0x288: {  	v4 =	vadd.s32 v1, v4;
	_ =	sdelay $0x1  }
0x289: {  	v3 =	vperm.xlane v3, v2;
	_ =	sdelay $0x1  }
0x28a: {  	v3 =	vadd.s32 v1, v3  }
0x28b: {  	[hbm4b:s3+s2] =	stream.indirect_vreg.scatter [tilespmem:s8], [sflag:$0x1], $0x80, v4, vm0, $0xb8;
	[tilespmem:$0xC080] =	vst v63  }
0x28c: {  	_ = 	snop  }
0x28d: {  	[hbm4b:s6+s2] =	stream.indirect_vreg.scatter [tilespmem:s16], [sflag:$0x1], $0x80, v4, vm1, $0xb8;
	[tilespmem:$0xC080] =	vst v63  }
0x28e: {  	_ = 	snop  }
0x28f: {  	[hbm4b:s3+s2] =	stream.indirect_vreg.scatter [tilespmem:s9], [sflag:$0x1], $0x80, v3, vm0, $0xb8;
	[tilespmem:$0xC080] =	vst v63  }
0x290: {  	_ = 	snop  }
0x291: {  	[hbm4b:s6+s2] =	stream.indirect_vreg.scatter [tilespmem:s10], [sflag:$0x1], $0x80, v3, vm1, $0xb8;
	[tilespmem:$0xC080] =	vst v63  }
0x292: {  	v3 =	vld [tilespmem:$0x40];
	_ =	sdelay $0x4  }
0x293: {  	v60 =	vshrl.u32 v3, $0x3  }
0x294: {  	v4 =	vmul.u32 $0x18, v60  }
0x295: {  	v3 =	vand.u32 $0x7, v3  }
0x296: {  	v3 =	vor.u32 v3, v4  }
0x297: {  	v4 =	vperm.xlane v3, v0;
	_ =	sdelay $0x1  }
0x298: {  	v4 =	vadd.s32 v1, v4;
	_ =	sdelay $0x1  }
0x299: {  	v3 =	vperm.xlane v3, v2;
	_ =	sdelay $0x1  }
0x29a: {  	v3 =	vadd.s32 v1, v3  }
0x29b: {  	[hbm4b:s3+s2] =	stream.indirect_vreg.scatter [tilespmem:s11], [sflag:$0x1], $0x80, v4, vm0, $0xb8;
	[tilespmem:$0xC080] =	vst v63  }
0x29c: {  	_ = 	snop  }
0x29d: {  	[hbm4b:s6+s2] =	stream.indirect_vreg.scatter [tilespmem:s12], [sflag:$0x1], $0x80, v4, vm1, $0xb8;
	[tilespmem:$0xC080] =	vst v63  }
0x29e: {  	_ = 	snop  }
0x29f: {  	[hbm4b:s3+s2] =	stream.indirect_vreg.scatter [tilespmem:s14], [sflag:$0x1], $0x80, v3, vm0, $0xb8;
	[tilespmem:$0xC080] =	vst v63  }
0x2a0: {  	s21 =	simm.s32 $0x7480  }
0x2a1: {  	[hbm4b:s6+s2] =	stream.indirect_vreg.scatter [tilespmem:s21], [sflag:$0x1], $0x80, v3, vm1, $0xb8;
	[tilespmem:$0xC080] =	vst v63  }
0x2a2: {  	v3 =	vld [tilespmem:$0x50];
	_ =	sdelay $0x4  }
0x2a3: {  	v61 =	vshrl.u32 v3, $0x3  }
0x2a4: {  	v4 =	vmul.u32 $0x18, v61  }
0x2a5: {  	v3 =	vand.u32 $0x7, v3  }
0x2a6: {  	v3 =	vor.u32 v3, v4  }
0x2a7: {  	v4 =	vperm.xlane v3, v0;
	_ =	sdelay $0x1  }
0x2a8: {  	v4 =	vadd.s32 v1, v4;
	_ =	sdelay $0x1  }
0x2a9: {  	v3 =	vperm.xlane v3, v2;
	_ =	sdelay $0x1  }
0x2aa: {  	v3 =	vadd.s32 v1, v3  }
0x2ab: {  	[hbm4b:s3+s2] =	stream.indirect_vreg.scatter [tilespmem:s13], [sflag:$0x1], $0x80, v4, vm0, $0xb8;
	[tilespmem:$0xC080] =	vst v63  }
0x2ac: {  	s22 =	simm.s32 $0x8080  }
0x2ad: {  	[hbm4b:s6+s2] =	stream.indirect_vreg.scatter [tilespmem:s22], [sflag:$0x1], $0x80, v4, vm1, $0xb8;
	[tilespmem:$0xC080] =	vst v63  }
0x2ae: {  	_ = 	snop  }
0x2af: {  	[hbm4b:s3+s2] =	stream.indirect_vreg.scatter [tilespmem:s23], [sflag:$0x1], $0x80, v3, vm0, $0xb8;
	[tilespmem:$0xC080] =	vst v63  }
0x2b0: {  	_ = 	snop  }
0x2b1: {  	[hbm4b:s6+s2] =	stream.indirect_vreg.scatter [tilespmem:s24], [sflag:$0x1], $0x80, v3, vm1, $0xb8;
	[tilespmem:$0xC080] =	vst v63  }
0x2b2: {  	v3 =	vld [tilespmem:$0x60];
	_ =	sdelay $0x4  }
0x2b3: {  	v62 =	vshrl.u32 v3, $0x3  }
0x2b4: {  	v4 =	vmul.u32 $0x18, v62  }
0x2b5: {  	v3 =	vand.u32 $0x7, v3  }
0x2b6: {  	v3 =	vor.u32 v3, v4  }
0x2b7: {  	v4 =	vperm.xlane v3, v0;
	_ =	sdelay $0x1  }
0x2b8: {  	v4 =	vadd.s32 v1, v4;
	_ =	sdelay $0x1  }
0x2b9: {  	v3 =	vperm.xlane v3, v2;
	_ =	sdelay $0x1  }
0x2ba: {  	v3 =	vadd.s32 v1, v3  }
0x2bb: {  	[hbm4b:s3+s2] =	stream.indirect_vreg.scatter [tilespmem:s28], [sflag:$0x1], $0x80, v4, vm0, $0xb8;
	[tilespmem:$0xC080] =	vst v63  }
0x2bc: {  	s24 =	simm.s32 $0x9880  }
0x2bd: {  	[hbm4b:s6+s2] =	stream.indirect_vreg.scatter [tilespmem:s24], [sflag:$0x1], $0x80, v4, vm1, $0xb8;
	[tilespmem:$0xC080] =	vst v63  }
0x2be: {  	s25 =	simm.s32 $0x9C80  }
0x2bf: {  	[hbm4b:s3+s2] =	stream.indirect_vreg.scatter [tilespmem:s25], [sflag:$0x1], $0x80, v3, vm0, $0xb8;
	[tilespmem:$0xC080] =	vst v63  }
0x2c0: {  	s26 =	simm.s32 $0xA480  }
0x2c1: {  	[hbm4b:s6+s2] =	stream.indirect_vreg.scatter [tilespmem:s26], [sflag:$0x1], $0x80, v3, vm1, $0xb8;
	[tilespmem:$0xC080] =	vst v63  }
0x2c2: {  	v3 =	vld [tilespmem:$0x70];
	_ =	sdelay $0x4  }
0x2c3: {  	v63 =	vshrl.u32 v3, $0x3  }
0x2c4: {  	v4 =	vmul.u32 $0x18, v63  }
0x2c5: {  	v3 =	vand.u32 $0x7, v3  }
0x2c6: {  	v3 =	vor.u32 v3, v4  }
0x2c7: {  	v4 =	vperm.xlane v3, v0;
	_ =	sdelay $0x1  }
0x2c8: {  	v4 =	vadd.s32 v1, v4;
	_ =	sdelay $0x1  }
0x2c9: {  	v3 =	vperm.xlane v3, v2;
	_ =	sdelay $0x1  }
0x2ca: {  	s28 =	simm.s32 $0xA880;
	v3 =	vadd.s32 v1, v3  }
0x2cb: {  	[hbm4b:s3+s2] =	stream.indirect_vreg.scatter [tilespmem:s28], [sflag:$0x1], $0x80, v4, vm0, $0xb8;
	[tilespmem:$0xC080] =	vst v63  }
0x2cc: {  	s29 =	simm.s32 $0xB080  }
0x2cd: {  	[hbm4b:s6+s2] =	stream.indirect_vreg.scatter [tilespmem:s29], [sflag:$0x1], $0x80, v4, vm1, $0xb8;
	[tilespmem:$0xC080] =	vst v63  }
0x2ce: {  	s30 =	simm.s32 $0xB480  }
0x2cf: {  	[hbm4b:s3+s2] =	stream.indirect_vreg.scatter [tilespmem:s30], [sflag:$0x1], $0x80, v3, vm0, $0xb8;
	[tilespmem:$0xC080] =	vst v63  }
.Ltmp3:
0x2d0: {  	s31 =	simm.s32 $0xBC80;
	(pc) =	sbr.rel .LBB2_3-.Ltmp3, $4  }
0x2d1: {  	[hbm4b:s6+s2] =	stream.indirect_vreg.scatter [tilespmem:s31], [sflag:$0x1], $0x80, v3, vm1, $0xb8;
	[tilespmem:$0xC080] =	vst v63  }
0x2d2: {  	_ =	swait.ge [sflag:s18], $0xC000  }
0x2d3: {  	[sflag:s18] =	ssyncset.done $0x0  }
0x2d4: {  	[sflag:s18] =	ssyncadd.s32 $0xFFFF4000  }
.LBB2_4:
0x2d5: {  	_ =	sfence.sel $0x180000  }
0x2d6: {  	[bflag:$0x0] =	sbarrier.arrive $0xFFFF  }
0x2d7: {  	_ =	strace $0x90000047  }
0x2d8: {  	s0 =	stileid.u32;
	[bflag:$0x2] =	sbarrier.arrive $0xFFFF  }
0x2d9: {  	p0 =	sne.s32 s0, $0x0;
	s0 =	rddreg [dreg:$0x2]  }
0x2da: {  	s0 =	sadd.s32 @!p0 $0x100000, s0  }
0x2db: {  	[sflag:s0] =	ssyncadd.tile.s32 @!p0 $0x1;
	_ =	shalt  }
.Lfunc_end2:
_tile_overlayer_lowered:
.L_overlay_start_2:
0x2dc: {  	(tag) =	ssettag $0x2  }
0x2dd: {  	s0 =	rddreg [dreg:$0x0];
	s2 =	stileid.u32  }
0x2de: {  	s1 =	rddreg [dreg:$0x1];
	p0 =	sne.s32 s2, $0x0  }
0x2df: {  	s3 =	rddreg [dreg:$0x2];
	[bflag:$0x3] =	sbarrier.arrive $0xFFFF;
	s2 =	simm.s32 @!p0 $0x1C02  }
0x2e0: {  	[timem:s3], [sflag:s2] =	dma.local @!p0 [hbm:s0], s1  }
0x2e1: {  	s0 =	simm.s32 @!p0 $0x2  }
0x2e2: {  	_ =	swait.ge @!p0 [sflag:s0], s1  }
0x2e3: {  	s1 =	ssub.s32 @!p0 $0x0, s1;
	[sflag:s0] =	ssyncset.done @!p0 $0x0  }
0x2e4: {  	[sflag:s0] =	ssyncadd.s32 @!p0 s1  }
0x2e5: {  	[bflag:$0x3] =	sbarrier.arrive $0xFFFF  }
0x2e6: {  	_ =	shalt  }

</sc_bundles>
